<compile_context>
chip_gen: v7x
topology: tpu7x:2x2x1
jax: 0.10.2.dev20260603
libtpu: 0.0.44.dev20260713+nightly
codegen_flags: <defaults>
</compile_context>

<pallas_src>
import jax
import jax.numpy as jnp
from jax import lax
from jax.experimental import pallas as pl
from jax.experimental.pallas import tpu as pltpu
from jax.experimental.pallas import tpu_sc as plsc

N = 10000
HID = 64
E = 320000
NC, NS, L = 2, 16, 16
EPT = E // NS
CH = 640
FULL = EPT // CH
TAIL = EPT - FULL * CH
ROWS_PER_TILE = 640
N_PAD = NS * ROWS_PER_TILE
BLK = 2000


def _tbl_body(*refs):
    ins, w, out = refs[:-1][0::2], refs[:-1][1::2], refs[-1]
    acc = jnp.dot(ins[0][:], w[0][:], preferred_element_type=jnp.float32)
    for r, wr in zip(ins[1:], w[1:]):
        acc += jnp.dot(r[:], wr[:], preferred_element_type=jnp.float32)
    out[:] = acc


def _table(pairs):
    operands = []
    specs = []
    for a, w in pairs:
        operands += [a, w]
        k = a.shape[1]
        specs += [pl.BlockSpec((BLK, k), lambda i: (i, 0)),
                  pl.BlockSpec((k, HID), lambda i: (0, 0))]
    return pl.pallas_call(
        _tbl_body,
        grid=(N // BLK,),
        in_specs=specs,
        out_specs=pl.BlockSpec((BLK, HID), lambda i: (i, 0)),
        out_shape=jax.ShapeDtypeStruct((N, HID), jnp.float32),
    )(*operands)


def _seg_body(tbl_a, tbl_s, a_ei, s_ei, a_dis, s_dis,
              seg_out, cnt_out, dis_out,
              src_a, src_b, dst_a, dst_b, dis_a, dis_b, ones_v,
              rows_a, rows_b, acc_seg, acc_cnt, acc_dis, tsem, gsem, ssem):
    c = lax.axis_index("c")
    s = lax.axis_index("s")

    ones16 = jnp.ones((L,), jnp.float32)
    zeros16 = jnp.zeros((L,), jnp.float32)

    def _init_ones(i, _):
        ones_v[pl.ds(i * L, L)] = ones16
        return 0
    lax.fori_loop(0, CH // L, _init_ones, 0)

    def _zero_rows(i, _):
        rows_a[i, pl.ds(0, L)] = zeros16
        rows_a[i, pl.ds(L, L)] = zeros16
        rows_a[i, pl.ds(2 * L, L)] = zeros16
        rows_a[i, pl.ds(3 * L, L)] = zeros16
        return 0
    lax.fori_loop(0, ROWS_PER_TILE, _zero_rows, 0)

    def _zero_vec(i, _):
        dis_a[pl.ds(i * L, L)] = zeros16
        return 0
    lax.fori_loop(0, ROWS_PER_TILE // L, _zero_vec, 0)

    r0 = s * ROWS_PER_TILE
    pltpu.sync_copy(rows_a, acc_seg.at[pl.ds(r0, ROWS_PER_TILE)])
    pltpu.sync_copy(dis_a, acc_cnt.at[pl.ds(r0, ROWS_PER_TILE)])
    pltpu.sync_copy(dis_a, acc_dis.at[pl.ds(r0, ROWS_PER_TILE)])

    plsc.subcore_barrier()

    def _bycore(fn):
        @pl.when(c == 0)
        def _():
            fn(a_ei, a_dis, tbl_a)

        @pl.when(c == 1)
        def _():
            fn(s_ei, s_dis, tbl_s)

    base0 = s * EPT
    bufs = ((src_a, dst_a, dis_a, rows_a), (src_b, dst_b, dis_b, rows_b))

    def _stage(j, b, n):
        sb, db, fb, _ = bufs[b]

        def fn(ei, dref, _tbl):
            pltpu.async_copy(ei.at[0, pl.ds(base0 + j * CH, n)],
                             sb.at[pl.ds(0, n)], tsem)
            pltpu.async_copy(ei.at[1, pl.ds(base0 + j * CH, n)],
                             db.at[pl.ds(0, n)], tsem)
            pltpu.async_copy(dref.at[pl.ds(base0 + j * CH, n)],
                             fb.at[pl.ds(0, n)], tsem)
        _bycore(fn)

    def _stage_wait(j, b, n):
        sb, db, fb, _ = bufs[b]

        def fn(ei, dref, _tbl):
            pltpu.make_async_copy(ei.at[0, pl.ds(base0 + j * CH, n)],
                                  sb.at[pl.ds(0, n)], tsem).wait()
            pltpu.make_async_copy(ei.at[1, pl.ds(base0 + j * CH, n)],
                                  db.at[pl.ds(0, n)], tsem).wait()
            pltpu.make_async_copy(dref.at[pl.ds(base0 + j * CH, n)],
                                  fb.at[pl.ds(0, n)], tsem).wait()
        _bycore(fn)

    def _gather_start(b, n):
        sb, _, _, rb = bufs[b]

        def fn(_ei, _dref, tbl):
            pltpu.async_copy(tbl.at[sb.at[pl.ds(0, n)]],
                             rb.at[pl.ds(0, n)], gsem)
        _bycore(fn)

    def _gather_wait(b, n):
        sb, _, _, rb = bufs[b]

        def fn(_ei, _dref, tbl):
            pltpu.make_async_copy(tbl.at[sb.at[pl.ds(0, n)]],
                                  rb.at[pl.ds(0, n)], gsem).wait()
        _bycore(fn)

    def _scatter(b, n):
        _, db, fb, rb = bufs[b]
        dbn = db.at[pl.ds(0, n)]
        pltpu.async_copy(rb.at[pl.ds(0, n)], acc_seg.at[dbn], ssem, add=True)
        pltpu.async_copy(fb.at[pl.ds(0, n)], acc_dis.at[dbn], ssem, add=True)
        pltpu.async_copy(ones_v.at[pl.ds(0, n)], acc_cnt.at[dbn], ssem,
                         add=True)
        pltpu.make_async_copy(rb.at[pl.ds(0, n)], acc_seg.at[dbn], ssem).wait()
        pltpu.make_async_copy(fb.at[pl.ds(0, n)], acc_dis.at[dbn], ssem).wait()
        pltpu.make_async_copy(ones_v.at[pl.ds(0, n)], acc_cnt.at[dbn],
                              ssem).wait()

    _stage(0, 0, CH)
    _stage_wait(0, 0, CH)
    _gather_start(0, CH)
    _stage(1, 1, CH)

    def _step(j0, _):
        for b in range(2):
            j = 2 * j0 + b

            @pl.when(j < FULL)
            def _():
                _gather_wait(b, CH)

                @pl.when(j + 1 < FULL)
                def _():
                    _stage_wait(j + 1, 1 - b, CH)
                    _gather_start(1 - b, CH)
                _scatter(b, CH)

                @pl.when(j + 2 < FULL)
                def _():
                    _stage(j + 2, b, CH)
        return 0
    lax.fori_loop(0, (FULL + 1) // 2, _step, 0)

    _stage(FULL, 0, TAIL)
    _stage_wait(FULL, 0, TAIL)
    _gather_start(0, TAIL)
    _gather_wait(0, TAIL)
    _scatter(0, TAIL)

    plsc.subcore_barrier()

    o0 = c * N + r0

    @pl.when(s < NS - 1)
    def _():
        pltpu.sync_copy(acc_seg.at[pl.ds(r0, ROWS_PER_TILE)],
                        seg_out.at[pl.ds(o0, ROWS_PER_TILE)])
        pltpu.sync_copy(acc_cnt.at[pl.ds(r0, ROWS_PER_TILE)],
                        cnt_out.at[pl.ds(o0, ROWS_PER_TILE)])
        pltpu.sync_copy(acc_dis.at[pl.ds(r0, ROWS_PER_TILE)],
                        dis_out.at[pl.ds(o0, ROWS_PER_TILE)])

    last = N - (NS - 1) * ROWS_PER_TILE

    @pl.when(s == NS - 1)
    def _():
        pltpu.sync_copy(acc_seg.at[pl.ds(r0, last)],
                        seg_out.at[pl.ds(o0, last)])
        pltpu.sync_copy(acc_cnt.at[pl.ds(r0, last)],
                        cnt_out.at[pl.ds(o0, last)])
        pltpu.sync_copy(acc_dis.at[pl.ds(r0, last)],
                        dis_out.at[pl.ds(o0, last)])


def _segment_sums(tbl_a, tbl_s, a_ei, s_ei, a_dis, s_dis):
    mesh = plsc.VectorSubcoreMesh(core_axis_name="c", subcore_axis_name="s",
                                  num_cores=NC, num_subcores=NS)
    f32 = jnp.float32
    i32 = jnp.int32
    return pl.kernel(
        _seg_body,
        out_type=[
            jax.ShapeDtypeStruct((NC * N, HID), f32),
            jax.ShapeDtypeStruct((NC * N,), f32),
            jax.ShapeDtypeStruct((NC * N,), f32),
        ],
        mesh=mesh,
        scratch_types=[
            pltpu.VMEM((CH,), i32),
            pltpu.VMEM((CH,), i32),
            pltpu.VMEM((CH,), i32),
            pltpu.VMEM((CH,), i32),
            pltpu.VMEM((CH,), f32),
            pltpu.VMEM((CH,), f32),
            pltpu.VMEM((CH,), f32),
            pltpu.VMEM((CH, HID), f32),
            pltpu.VMEM((CH, HID), f32),
            pltpu.VMEM_SHARED((N_PAD, HID), f32),
            pltpu.VMEM_SHARED((N_PAD,), f32),
            pltpu.VMEM_SHARED((N_PAD,), f32),
            pltpu.SemaphoreType.DMA,
            pltpu.SemaphoreType.DMA,
            pltpu.SemaphoreType.DMA,
        ],
        compiler_params=pltpu.CompilerParams(use_tc_tiling_on_sc=False),
    )(tbl_a, tbl_s, a_ei, s_ei, a_dis, s_dis)


def _final_body(pos, h, x, seg_a, seg_s, cnt_a, cnt_s, sd_a, sd_s,
                wsp_a, bu, wdis_a, wsp_s, bx, wdis_s,
                w1, w2, w3, w4, w5, bd, out):
    dot = lambda a, b: jnp.dot(a[:], b[:], preferred_element_type=jnp.float32)
    su = seg_a[:] + cnt_a[:] * (dot(pos, wsp_a) + bu[:]) + sd_a[:] * wdis_a[:]
    mx = seg_s[:] + cnt_s[:] * (dot(pos, wsp_s) + bx[:]) + sd_s[:] * wdis_s[:]
    mx = mx / jnp.maximum(cnt_s[:], 1.0)
    out[:] = (dot(pos, w1) + dot(h, w2) + dot(su, w3) + dot(mx, w4)
              + dot(x, w5) + bd[:])


def _final(pos, h, x, seg, cnt, sdis,
           wsp_a, bu, wdis_a, wsp_s, bx, wdis_s, w1, w2, w3, w4, w5, bd):
    nb = N // BLK
    rowa = lambda k: pl.BlockSpec((BLK, k), lambda i: (i, 0))
    rows = lambda k: pl.BlockSpec((BLK, k), lambda i: (i + nb, 0))
    full = lambda a: pl.BlockSpec(a.shape, lambda i: (0, 0))
    return pl.pallas_call(
        _final_body,
        grid=(nb,),
        in_specs=[rowa(2), rowa(HID), rowa(128),
                  rowa(HID), rows(HID), rowa(1), rows(1), rowa(1), rows(1),
                  full(wsp_a), full(bu), full(wdis_a),
                  full(wsp_s), full(bx), full(wdis_s),
                  full(w1), full(w2), full(w3), full(w4), full(w5), full(bd)],
        out_specs=pl.BlockSpec((BLK, HID), lambda i: (i, 0)),
        out_shape=jax.ShapeDtypeStruct((N, HID), jnp.float32),
    )(pos, h, x, seg, seg, cnt, cnt, sdis, sdis,
      wsp_a, bu, wdis_a, wsp_s, bx, wdis_s, w1, w2, w3, w4, w5, bd)


def kernel(h, x, u, state_pos, action_pos, a2s_edge_index, a2s_dis,
           s2s_edge_index, s2s_dis, W_u2h, b_u2h, W_x2h, b_x2h, W_upd, b_upd):
    tbl_a = _table([(u, W_u2h[:, :16].T), (action_pos, W_u2h[:, 16:18].T)])
    tbl_s = _table([(x, W_x2h[:, :128].T), (h, W_x2h[:, 128:192].T),
                    (state_pos, W_x2h[:, 192:194].T)])

    seg, cnt, sdis = _segment_sums(
        tbl_a, tbl_s, a2s_edge_index, s2s_edge_index,
        a2s_dis.reshape(E), s2s_dis.reshape(E))

    out = _final(
        state_pos, h, x, seg, cnt.reshape(NC * N, 1), sdis.reshape(NC * N, 1),
        W_u2h[:, 18:20].T, b_u2h[None, :], W_u2h[:, 20][None, :],
        W_x2h[:, 194:196].T, b_x2h[None, :], W_x2h[:, 196][None, :],
        W_upd[:, 0:2].T, W_upd[:, 2:66].T, W_upd[:, 66:130].T,
        W_upd[:, 130:194].T, W_upd[:, 194:322].T, b_upd[None, :])
    return out

# --- scband reference (transcript-rebuilt; emitter-appended) ---
"""Pipeline reference for scband-history-filter-linear-30631706755830 (READ-ONLY COPY).

The authoritative reference and input builder live on the scoring server;
editing this copy changes nothing except your own understanding.
"""

import jax, jax.numpy as jnp
import numpy as np

X_DIM = 128
U_DIM = 16
HID = 64
N_STATE = 10000
N_ACTION = 10000
E_A2S = 320000
E_S2S = 320000


def _linear_params(k, out_d, in_d):
    bound = 1.0 / np.sqrt(in_d)
    kw, kb = jax.random.split(k)
    W = jax.random.uniform(kw, (out_d, in_d), jnp.float32, minval=-bound, maxval=bound)
    b = jax.random.uniform(kb, (out_d,), jnp.float32, minval=-bound, maxval=bound)
    return W, b


def setup_inputs(seed: int = 0) -> dict:
    key = jax.random.key(seed)
    ks = jax.random.split(key, 12)
    h = jax.random.normal(ks[0], (N_STATE, HID), jnp.float32)
    x = jax.random.normal(ks[1], (N_STATE, X_DIM), jnp.float32)
    u = jax.random.normal(ks[2], (N_ACTION, U_DIM), jnp.float32)
    state_pos = jax.random.normal(ks[3], (N_STATE, 2), jnp.float32)
    action_pos = jax.random.normal(ks[4], (N_ACTION, 2), jnp.float32)
    a2s_edge_index = jax.random.randint(ks[5], (2, E_A2S), 0, N_ACTION, dtype=jnp.int32)
    a2s_dis = jax.random.uniform(ks[6], (E_A2S, 1), jnp.float32)
    s2s_edge_index = jax.random.randint(ks[7], (2, E_S2S), 0, N_STATE, dtype=jnp.int32)
    s2s_dis = jax.random.uniform(ks[8], (E_S2S, 1), jnp.float32)
    W_u2h, b_u2h = _linear_params(ks[9], HID, U_DIM + 2 * 2 + 1)
    W_x2h, b_x2h = _linear_params(ks[10], HID, X_DIM + HID + 2 * 2 + 1)
    W_upd, b_upd = _linear_params(ks[11], HID, 2 + HID * 3 + X_DIM)
    return {
        'h': h, 'x': x, 'u': u,
        'state_pos': state_pos, 'action_pos': action_pos,
        'a2s_edge_index': a2s_edge_index, 'a2s_dis': a2s_dis,
        's2s_edge_index': s2s_edge_index, 's2s_dis': s2s_dis,
        'W_u2h': W_u2h, 'b_u2h': b_u2h,
        'W_x2h': W_x2h, 'b_x2h': b_x2h,
        'W_upd': W_upd, 'b_upd': b_upd,
    }


def reference(h, x, u, state_pos, action_pos, a2s_edge_index, a2s_dis,
              s2s_edge_index, s2s_dis, W_u2h, b_u2h, W_x2h, b_x2h, W_upd, b_upd):
    N = h.shape[0]
    # a2s: u2h_msg per edge then sum-aggregate to dst state nodes (fn.sum)
    a_src = a2s_edge_index[0]
    a_dst = a2s_edge_index[1]
    inp_u = jnp.concatenate([u[a_src], action_pos[a_src], state_pos[a_dst], a2s_dis], axis=-1)
    msg_u = inp_u @ W_u2h.T + b_u2h
    sum_u = jax.ops.segment_sum(msg_u, a_dst, num_segments=N)
    # s2s: x2h_msg per edge then mean-aggregate to dst state nodes (fn.mean)
    s_src = s2s_edge_index[0]
    s_dst = s2s_edge_index[1]
    inp_x = jnp.concatenate([x[s_src], h[s_src], state_pos[s_src], state_pos[s_dst], s2s_dis], axis=-1)
    msg_x = inp_x @ W_x2h.T + b_x2h
    sum_x_raw = jax.ops.segment_sum(msg_x, s_dst, num_segments=N)
    cnt = jax.ops.segment_sum(jnp.ones((s_dst.shape[0],), jnp.float32), s_dst, num_segments=N)
    mean_x = sum_x_raw / jnp.maximum(cnt, 1.0)[:, None]
    # h_updater on concatenated node features
    inp = jnp.concatenate([state_pos, h, sum_u, mean_x, x], axis=-1)
    return inp @ W_upd.T + b_upd

if __name__ == "__main__":
    import jax
    _d = setup_inputs()
    print(jax.jit(kernel)(*tuple(_d.values())))

</pallas_src>

<mosaic_0001>
#map = affine_map<(d0, d1) -> (0, 0)>
#map1 = affine_map<(d0, d1) -> (0)>
module attributes {stable_mosaic.version = 14 : i64} {
  func.func @_seg_body(%arg0: i32, %arg1: i32, %arg2: memref<10000x64xf32, #tpu.memory_space<hbm>>, %arg3: memref<10000x64xf32, #tpu.memory_space<hbm>>, %arg4: memref<2x320000xi32, #tpu.memory_space<hbm>>, %arg5: memref<2x320000xi32, #tpu.memory_space<hbm>>, %arg6: memref<320000xf32, #tpu.memory_space<hbm>>, %arg7: memref<320000xf32, #tpu.memory_space<hbm>>, %arg8: memref<20000x64xf32, #tpu.memory_space<hbm>>, %arg9: memref<20000xf32, #tpu.memory_space<hbm>>, %arg10: memref<20000xf32, #tpu.memory_space<hbm>>, %arg11: memref<640xi32, #tpu.memory_space<vmem>>, %arg12: memref<640xi32, #tpu.memory_space<vmem>>, %arg13: memref<640xi32, #tpu.memory_space<vmem>>, %arg14: memref<640xi32, #tpu.memory_space<vmem>>, %arg15: memref<640xf32, #tpu.memory_space<vmem>>, %arg16: memref<640xf32, #tpu.memory_space<vmem>>, %arg17: memref<640xf32, #tpu.memory_space<vmem>>, %arg18: memref<640x64xf32, #tpu.memory_space<vmem>>, %arg19: memref<640x64xf32, #tpu.memory_space<vmem>>, %arg20: memref<10240x64xf32, #tpu.memory_space<vmem_shared>>, %arg21: memref<10240xf32, #tpu.memory_space<vmem_shared>>, %arg22: memref<10240xf32, #tpu.memory_space<vmem_shared>>, %arg23: memref<!tpu.dma_semaphore, #tpu.memory_space<semaphore_mem>>, %arg24: memref<!tpu.dma_semaphore, #tpu.memory_space<semaphore_mem>>, %arg25: memref<!tpu.dma_semaphore, #tpu.memory_space<semaphore_mem>>) attributes {dimension_semantics = [#tpu.dimension_semantics<core_parallel>, #tpu.dimension_semantics<subcore_parallel>], iteration_bounds = array<i64: 2, 16>, scalar_prefetch = 0 : i64, scratch_operands = 15 : i64, tpu.core_type = #tpu.core_type<sc_vector_subcore>, window_params = [{transform_indices = #map}, {transform_indices = #map}, {transform_indices = #map}, {transform_indices = #map}, {transform_indices = #map1}, {transform_indices = #map1}, {transform_indices = #map}, {transform_indices = #map1}, {transform_indices = #map1}]} {
    %broadcast_in_dim3A = arith.constant 1.000000e+00 : f32
    %broadcast_in_dim3A_0 = vector.broadcast %broadcast_in_dim3A : f32 to vector<16xf32>
    %broadcast_in_dim3A_1 = arith.constant 0.000000e+00 : f32
    %broadcast_in_dim3A_2 = vector.broadcast %broadcast_in_dim3A_1 : f32 to vector<16xf32>
    %scan3A = arith.constant 0 : i32
    %scan3A_3 = arith.constant 0 : i32
    %scan3A_4 = arith.constant 40 : i32
    %scan3A_5 = arith.addi %scan3A_3, %scan3A_4 : i32
    %scan3A_6 = arith.constant 1 : i32
    %scan3A_7 = scf.for %scan3A_160 = %scan3A_3 to %scan3A_5 step %scan3A_6 iter_args(%scan3A_161 = %scan3A) -> (i32)  : i32 {
      %mul3A_162 = arith.constant 16 : i32
      %mul3A_163 = arith.muli %scan3A_160, %mul3A_162 : i32
      %swap3A = arith.index_cast %mul3A_163 : i32 to index
      %swap3A_164 = tpu.vector_load %arg17[%swap3A] {strides = array<i32>} : memref<640xf32, #tpu.memory_space<vmem>>, vector<16xf32>,
      %swap3A_165 = vector.shape_cast %swap3A_164 : vector<16xf32> to vector<16xf32>
      %swap3A_166 = vector.shape_cast %broadcast_in_dim3A_0 : vector<16xf32> to vector<16xf32>
      tpu.vector_store %arg17[%swap3A], %swap3A_166 {strides = array<i32>} : memref<640xf32, #tpu.memory_space<vmem>>, vector<16xf32>,
      %scan3A_167 = arith.constant 0 : i32
      scf.yield %scan3A_167 : i32
    }
    %scan3A_8 = arith.constant 40 : i32
    %scan3A_9 = arith.constant 0 : i32
    %scan3A_10 = arith.constant 0 : i32
    %scan3A_11 = arith.constant 640 : i32
    %scan3A_12 = arith.addi %scan3A_10, %scan3A_11 : i32
    %scan3A_13 = arith.constant 1 : i32
    %scan3A_14 = scf.for %scan3A_160 = %scan3A_10 to %scan3A_12 step %scan3A_13 iter_args(%scan3A_161 = %scan3A_9) -> (i32)  : i32 {
      %swap3A = arith.index_cast %scan3A_160 : i32 to index
      %swap3A_162 = arith.constant 0 : index
      %swap3A_163 = tpu.vector_load %arg18[%swap3A, %swap3A_162] {strides = array<i32>} : memref<640x64xf32, #tpu.memory_space<vmem>>, vector<1x16xf32>,
      %swap3A_164 = vector.shape_cast %swap3A_163 : vector<1x16xf32> to vector<16xf32>
      %swap3A_165 = vector.shape_cast %broadcast_in_dim3A_2 : vector<16xf32> to vector<1x16xf32>
      tpu.vector_store %arg18[%swap3A, %swap3A_162], %swap3A_165 {strides = array<i32>} : memref<640x64xf32, #tpu.memory_space<vmem>>, vector<1x16xf32>,
      %swap3A_166 = arith.index_cast %scan3A_160 : i32 to index
      %swap3A_167 = arith.constant 16 : index
      %swap3A_168 = tpu.vector_load %arg18[%swap3A_166, %swap3A_167] {strides = array<i32>} : memref<640x64xf32, #tpu.memory_space<vmem>>, vector<1x16xf32>,
      %swap3A_169 = vector.shape_cast %swap3A_168 : vector<1x16xf32> to vector<16xf32>
      %swap3A_170 = vector.shape_cast %broadcast_in_dim3A_2 : vector<16xf32> to vector<1x16xf32>
      tpu.vector_store %arg18[%swap3A_166, %swap3A_167], %swap3A_170 {strides = array<i32>} : memref<640x64xf32, #tpu.memory_space<vmem>>, vector<1x16xf32>,
      %swap3A_171 = arith.index_cast %scan3A_160 : i32 to index
      %swap3A_172 = arith.constant 32 : index
      %swap3A_173 = tpu.vector_load %arg18[%swap3A_171, %swap3A_172] {strides = array<i32>} : memref<640x64xf32, #tpu.memory_space<vmem>>, vector<1x16xf32>,
      %swap3A_174 = vector.shape_cast %swap3A_173 : vector<1x16xf32> to vector<16xf32>
      %swap3A_175 = vector.shape_cast %broadcast_in_dim3A_2 : vector<16xf32> to vector<1x16xf32>
      tpu.vector_store %arg18[%swap3A_171, %swap3A_172], %swap3A_175 {strides = array<i32>} : memref<640x64xf32, #tpu.memory_space<vmem>>, vector<1x16xf32>,
      %swap3A_176 = arith.index_cast %scan3A_160 : i32 to index
      %swap3A_177 = arith.constant 48 : index
      %swap3A_178 = tpu.vector_load %arg18[%swap3A_176, %swap3A_177] {strides = array<i32>} : memref<640x64xf32, #tpu.memory_space<vmem>>, vector<1x16xf32>,
      %swap3A_179 = vector.shape_cast %swap3A_178 : vector<1x16xf32> to vector<16xf32>
      %swap3A_180 = vector.shape_cast %broadcast_in_dim3A_2 : vector<16xf32> to vector<1x16xf32>
      tpu.vector_store %arg18[%swap3A_176, %swap3A_177], %swap3A_180 {strides = array<i32>} : memref<640x64xf32, #tpu.memory_space<vmem>>, vector<1x16xf32>,
      %scan3A_181 = arith.constant 0 : i32
      scf.yield %scan3A_181 : i32
    }
    %scan3A_15 = arith.constant 640 : i32
    %scan3A_16 = arith.constant 0 : i32
    %scan3A_17 = arith.constant 0 : i32
    %scan3A_18 = arith.constant 40 : i32
    %scan3A_19 = arith.addi %scan3A_17, %scan3A_18 : i32
    %scan3A_20 = arith.constant 1 : i32
    %scan3A_21 = scf.for %scan3A_160 = %scan3A_17 to %scan3A_19 step %scan3A_20 iter_args(%scan3A_161 = %scan3A_16) -> (i32)  : i32 {
      %mul3A_162 = arith.constant 16 : i32
      %mul3A_163 = arith.muli %scan3A_160, %mul3A_162 : i32
      %swap3A = arith.index_cast %mul3A_163 : i32 to index
      %swap3A_164 = tpu.vector_load %arg15[%swap3A] {strides = array<i32>} : memref<640xf32, #tpu.memory_space<vmem>>, vector<16xf32>,
      %swap3A_165 = vector.shape_cast %swap3A_164 : vector<16xf32> to vector<16xf32>
      %swap3A_166 = vector.shape_cast %broadcast_in_dim3A_2 : vector<16xf32> to vector<16xf32>
      tpu.vector_store %arg15[%swap3A], %swap3A_166 {strides = array<i32>} : memref<640xf32, #tpu.memory_space<vmem>>, vector<16xf32>,
      %scan3A_167 = arith.constant 0 : i32
      scf.yield %scan3A_167 : i32
    }
    %scan3A_22 = arith.constant 40 : i32
    %mul3A = arith.constant 640 : i32
    %mul3A_23 = arith.muli %arg1, %mul3A : i32
    "tpu.region"() ({
      %run_scoped3A = tpu.sem_alloc : memref<!tpu.dma_semaphore, #tpu.memory_space<semaphore_mem>>
      %dma_start3A_160 = arith.constant 0 : i32
      %dma_start3A_161 = tpu.memref_slice %arg20[%mul3A_23, %dma_start3A_160] : memref<10240x64xf32, #tpu.memory_space<vmem_shared>> -> memref<640x64xf32, #tpu.memory_space<vmem_shared>>
      %dma_start3A_162 = arith.constant 0 : i32
      %dma_start3A_163 = tpu.memref_slice %arg20[%mul3A_23, %dma_start3A_162] : memref<10240x64xf32, #tpu.memory_space<vmem_shared>> -> memref<640x64xf32, #tpu.memory_space<vmem_shared>>
      tpu.enqueue_dma source(%arg18 : memref<640x64xf32, #tpu.memory_space<vmem>>) target(%dma_start3A_163 : memref<640x64xf32, #tpu.memory_space<vmem_shared>>) target_semaphore(%run_scoped3A : memref<!tpu.dma_semaphore, #tpu.memory_space<semaphore_mem>>)
      %dma_wait3A_164 = arith.constant 0 : i32
      %dma_wait3A_165 = tpu.memref_slice %arg20[%mul3A_23, %dma_wait3A_164] : memref<10240x64xf32, #tpu.memory_space<vmem_shared>> -> memref<640x64xf32, #tpu.memory_space<vmem_shared>>
      %dma_wait3A_166 = arith.constant 0 : i32
      %dma_wait3A_167 = tpu.memref_slice %arg20[%mul3A_23, %dma_wait3A_166] : memref<10240x64xf32, #tpu.memory_space<vmem_shared>> -> memref<640x64xf32, #tpu.memory_space<vmem_shared>>
      tpu.wait_dma2 semaphore(%run_scoped3A : memref<!tpu.dma_semaphore, #tpu.memory_space<semaphore_mem>>) src(%arg18 : memref<640x64xf32, #tpu.memory_space<vmem>>) dst(%dma_wait3A_167 : memref<640x64xf32, #tpu.memory_space<vmem_shared>>)
      tpu.yield
    }) : () -> ()
    "tpu.region"() ({
      %run_scoped3A = tpu.sem_alloc : memref<!tpu.dma_semaphore, #tpu.memory_space<semaphore_mem>>
      %dma_start3A_160 = tpu.memref_slice %arg21[%mul3A_23] : memref<10240xf32, #tpu.memory_space<vmem_shared>> -> memref<640xf32, #tpu.memory_space<vmem_shared>>
      %dma_start3A_161 = tpu.memref_slice %arg21[%mul3A_23] : memref<10240xf32, #tpu.memory_space<vmem_shared>> -> memref<640xf32, #tpu.memory_space<vmem_shared>>
      tpu.enqueue_dma source(%arg15 : memref<640xf32, #tpu.memory_space<vmem>>) target(%dma_start3A_161 : memref<640xf32, #tpu.memory_space<vmem_shared>>) target_semaphore(%run_scoped3A : memref<!tpu.dma_semaphore, #tpu.memory_space<semaphore_mem>>)
      %dma_wait3A_162 = tpu.memref_slice %arg21[%mul3A_23] : memref<10240xf32, #tpu.memory_space<vmem_shared>> -> memref<640xf32, #tpu.memory_space<vmem_shared>>
      %dma_wait3A_163 = tpu.memref_slice %arg21[%mul3A_23] : memref<10240xf32, #tpu.memory_space<vmem_shared>> -> memref<640xf32, #tpu.memory_space<vmem_shared>>
      tpu.wait_dma2 semaphore(%run_scoped3A : memref<!tpu.dma_semaphore, #tpu.memory_space<semaphore_mem>>) src(%arg15 : memref<640xf32, #tpu.memory_space<vmem>>) dst(%dma_wait3A_163 : memref<640xf32, #tpu.memory_space<vmem_shared>>)
      tpu.yield
    }) : () -> ()
    "tpu.region"() ({
      %run_scoped3A = tpu.sem_alloc : memref<!tpu.dma_semaphore, #tpu.memory_space<semaphore_mem>>
      %dma_start3A_160 = tpu.memref_slice %arg22[%mul3A_23] : memref<10240xf32, #tpu.memory_space<vmem_shared>> -> memref<640xf32, #tpu.memory_space<vmem_shared>>
      %dma_start3A_161 = tpu.memref_slice %arg22[%mul3A_23] : memref<10240xf32, #tpu.memory_space<vmem_shared>> -> memref<640xf32, #tpu.memory_space<vmem_shared>>
      tpu.enqueue_dma source(%arg15 : memref<640xf32, #tpu.memory_space<vmem>>) target(%dma_start3A_161 : memref<640xf32, #tpu.memory_space<vmem_shared>>) target_semaphore(%run_scoped3A : memref<!tpu.dma_semaphore, #tpu.memory_space<semaphore_mem>>)
      %dma_wait3A_162 = tpu.memref_slice %arg22[%mul3A_23] : memref<10240xf32, #tpu.memory_space<vmem_shared>> -> memref<640xf32, #tpu.memory_space<vmem_shared>>
      %dma_wait3A_163 = tpu.memref_slice %arg22[%mul3A_23] : memref<10240xf32, #tpu.memory_space<vmem_shared>> -> memref<640xf32, #tpu.memory_space<vmem_shared>>
      tpu.wait_dma2 semaphore(%run_scoped3A : memref<!tpu.dma_semaphore, #tpu.memory_space<semaphore_mem>>) src(%arg15 : memref<640xf32, #tpu.memory_space<vmem>>) dst(%dma_wait3A_163 : memref<640xf32, #tpu.memory_space<vmem_shared>>)
      tpu.yield
    }) : () -> ()
    %barrier3A = arith.constant 0 : index
    tpu.barrier barrier_id(%barrier3A)
    %mul3A_24 = arith.constant 20000 : i32
    %mul3A_25 = arith.muli %arg1, %mul3A_24 : i32
    %eq3A = arith.constant 0 : i32
    %eq3A_26 = arith.cmpi eq, %arg0, %eq3A : i32
    %convert_element_type3A = arith.extui %eq3A_26 : i1 to i32
    %cond3A = arith.constant 0 : i32
    %cond3A_27 = arith.cmpi ne, %convert_element_type3A, %cond3A : i32
    scf.if %cond3A_27 {
      %add3A_160 = arith.constant 0 : i32
      %add3A_161 = arith.addi %mul3A_25, %add3A_160 : i32
      %dma_start3A_162 = arith.constant 0 : i32
      %dma_start3A_163 = arith.constant 0 : i32
      %dma_start3A_164 = tpu.memref_slice %arg11[%dma_start3A_163] : memref<640xi32, #tpu.memory_space<vmem>> -> memref<640xi32, #tpu.memory_space<vmem>>
      %dma_start3A_165 = tpu.memref_slice %arg4[%dma_start3A_162, %add3A_161] : memref<2x320000xi32, #tpu.memory_space<hbm>> -> memref<1x640xi32, #tpu.memory_space<hbm>>
      %dma_start3A_166 = tpu.memref_squeeze %dma_start3A_165 : memref<1x640xi32, #tpu.memory_space<hbm>> -> memref<640xi32, #tpu.memory_space<hbm>>
      %dma_start3A_167 = arith.constant 0 : i32
      %dma_start3A_168 = tpu.memref_slice %arg11[%dma_start3A_167] : memref<640xi32, #tpu.memory_space<vmem>> -> memref<640xi32, #tpu.memory_space<vmem>>
      %dma_start3A_169 = tpu.memref_slice %arg4[%dma_start3A_162, %add3A_161] : memref<2x320000xi32, #tpu.memory_space<hbm>> -> memref<1x640xi32, #tpu.memory_space<hbm>>
      %dma_start3A_170 = tpu.memref_squeeze %dma_start3A_169 : memref<1x640xi32, #tpu.memory_space<hbm>> -> memref<640xi32, #tpu.memory_space<hbm>>
      tpu.enqueue_dma source(%dma_start3A_170 : memref<640xi32, #tpu.memory_space<hbm>>) target(%dma_start3A_168 : memref<640xi32, #tpu.memory_space<vmem>>) target_semaphore(%arg23 : memref<!tpu.dma_semaphore, #tpu.memory_space<semaphore_mem>>)
      %add3A_171 = arith.constant 0 : i32
      %add3A_172 = arith.addi %mul3A_25, %add3A_171 : i32
      %dma_start3A_173 = arith.constant 1 : i32
      %dma_start3A_174 = arith.constant 0 : i32
      %dma_start3A_175 = tpu.memref_slice %arg13[%dma_start3A_174] : memref<640xi32, #tpu.memory_space<vmem>> -> memref<640xi32, #tpu.memory_space<vmem>>
      %dma_start3A_176 = tpu.memref_slice %arg4[%dma_start3A_173, %add3A_172] : memref<2x320000xi32, #tpu.memory_space<hbm>> -> memref<1x640xi32, #tpu.memory_space<hbm>>
      %dma_start3A_177 = tpu.memref_squeeze %dma_start3A_176 : memref<1x640xi32, #tpu.memory_space<hbm>> -> memref<640xi32, #tpu.memory_space<hbm>>
      %dma_start3A_178 = arith.constant 0 : i32
      %dma_start3A_179 = tpu.memref_slice %arg13[%dma_start3A_178] : memref<640xi32, #tpu.memory_space<vmem>> -> memref<640xi32, #tpu.memory_space<vmem>>
      %dma_start3A_180 = tpu.memref_slice %arg4[%dma_start3A_173, %add3A_172] : memref<2x320000xi32, #tpu.memory_space<hbm>> -> memref<1x640xi32, #tpu.memory_space<hbm>>
      %dma_start3A_181 = tpu.memref_squeeze %dma_start3A_180 : memref<1x640xi32, #tpu.memory_space<hbm>> -> memref<640xi32, #tpu.memory_space<hbm>>
      tpu.enqueue_dma source(%dma_start3A_181 : memref<640xi32, #tpu.memory_space<hbm>>) target(%dma_start3A_179 : memref<640xi32, #tpu.memory_space<vmem>>) target_semaphore(%arg23 : memref<!tpu.dma_semaphore, #tpu.memory_space<semaphore_mem>>)
      %add3A_182 = arith.constant 0 : i32
      %add3A_183 = arith.addi %mul3A_25, %add3A_182 : i32
      %dma_start3A_184 = arith.constant 0 : i32
      %dma_start3A_185 = tpu.memref_slice %arg15[%dma_start3A_184] : memref<640xf32, #tpu.memory_space<vmem>> -> memref<640xf32, #tpu.memory_space<vmem>>
      %dma_start3A_186 = tpu.memref_slice %arg6[%add3A_183] : memref<320000xf32, #tpu.memory_space<hbm>> -> memref<640xf32, #tpu.memory_space<hbm>>
      %dma_start3A_187 = arith.constant 0 : i32
      %dma_start3A_188 = tpu.memref_slice %arg15[%dma_start3A_187] : memref<640xf32, #tpu.memory_space<vmem>> -> memref<640xf32, #tpu.memory_space<vmem>>
      %dma_start3A_189 = tpu.memref_slice %arg6[%add3A_183] : memref<320000xf32, #tpu.memory_space<hbm>> -> memref<640xf32, #tpu.memory_space<hbm>>
      tpu.enqueue_dma source(%dma_start3A_189 : memref<640xf32, #tpu.memory_space<hbm>>) target(%dma_start3A_188 : memref<640xf32, #tpu.memory_space<vmem>>) target_semaphore(%arg23 : memref<!tpu.dma_semaphore, #tpu.memory_space<semaphore_mem>>)
    } else {
    }
    %eq3A_28 = arith.constant 1 : i32
    %eq3A_29 = arith.cmpi eq, %arg0, %eq3A_28 : i32
    %convert_element_type3A_30 = arith.extui %eq3A_29 : i1 to i32
    %cond3A_31 = arith.constant 0 : i32
    %cond3A_32 = arith.cmpi ne, %convert_element_type3A_30, %cond3A_31 : i32
    scf.if %cond3A_32 {
      %add3A_160 = arith.constant 0 : i32
      %add3A_161 = arith.addi %mul3A_25, %add3A_160 : i32
      %dma_start3A_162 = arith.constant 0 : i32
      %dma_start3A_163 = arith.constant 0 : i32
      %dma_start3A_164 = tpu.memref_slice %arg11[%dma_start3A_163] : memref<640xi32, #tpu.memory_space<vmem>> -> memref<640xi32, #tpu.memory_space<vmem>>
      %dma_start3A_165 = tpu.memref_slice %arg5[%dma_start3A_162, %add3A_161] : memref<2x320000xi32, #tpu.memory_space<hbm>> -> memref<1x640xi32, #tpu.memory_space<hbm>>
      %dma_start3A_166 = tpu.memref_squeeze %dma_start3A_165 : memref<1x640xi32, #tpu.memory_space<hbm>> -> memref<640xi32, #tpu.memory_space<hbm>>
      %dma_start3A_167 = arith.constant 0 : i32
      %dma_start3A_168 = tpu.memref_slice %arg11[%dma_start3A_167] : memref<640xi32, #tpu.memory_space<vmem>> -> memref<640xi32, #tpu.memory_space<vmem>>
      %dma_start3A_169 = tpu.memref_slice %arg5[%dma_start3A_162, %add3A_161] : memref<2x320000xi32, #tpu.memory_space<hbm>> -> memref<1x640xi32, #tpu.memory_space<hbm>>
      %dma_start3A_170 = tpu.memref_squeeze %dma_start3A_169 : memref<1x640xi32, #tpu.memory_space<hbm>> -> memref<640xi32, #tpu.memory_space<hbm>>
      tpu.enqueue_dma source(%dma_start3A_170 : memref<640xi32, #tpu.memory_space<hbm>>) target(%dma_start3A_168 : memref<640xi32, #tpu.memory_space<vmem>>) target_semaphore(%arg23 : memref<!tpu.dma_semaphore, #tpu.memory_space<semaphore_mem>>)
      %add3A_171 = arith.constant 0 : i32
      %add3A_172 = arith.addi %mul3A_25, %add3A_171 : i32
      %dma_start3A_173 = arith.constant 1 : i32
      %dma_start3A_174 = arith.constant 0 : i32
      %dma_start3A_175 = tpu.memref_slice %arg13[%dma_start3A_174] : memref<640xi32, #tpu.memory_space<vmem>> -> memref<640xi32, #tpu.memory_space<vmem>>
      %dma_start3A_176 = tpu.memref_slice %arg5[%dma_start3A_173, %add3A_172] : memref<2x320000xi32, #tpu.memory_space<hbm>> -> memref<1x640xi32, #tpu.memory_space<hbm>>
      %dma_start3A_177 = tpu.memref_squeeze %dma_start3A_176 : memref<1x640xi32, #tpu.memory_space<hbm>> -> memref<640xi32, #tpu.memory_space<hbm>>
      %dma_start3A_178 = arith.constant 0 : i32
      %dma_start3A_179 = tpu.memref_slice %arg13[%dma_start3A_178] : memref<640xi32, #tpu.memory_space<vmem>> -> memref<640xi32, #tpu.memory_space<vmem>>
      %dma_start3A_180 = tpu.memref_slice %arg5[%dma_start3A_173, %add3A_172] : memref<2x320000xi32, #tpu.memory_space<hbm>> -> memref<1x640xi32, #tpu.memory_space<hbm>>
      %dma_start3A_181 = tpu.memref_squeeze %dma_start3A_180 : memref<1x640xi32, #tpu.memory_space<hbm>> -> memref<640xi32, #tpu.memory_space<hbm>>
      tpu.enqueue_dma source(%dma_start3A_181 : memref<640xi32, #tpu.memory_space<hbm>>) target(%dma_start3A_179 : memref<640xi32, #tpu.memory_space<vmem>>) target_semaphore(%arg23 : memref<!tpu.dma_semaphore, #tpu.memory_space<semaphore_mem>>)
      %add3A_182 = arith.constant 0 : i32
      %add3A_183 = arith.addi %mul3A_25, %add3A_182 : i32
      %dma_start3A_184 = arith.constant 0 : i32
      %dma_start3A_185 = tpu.memref_slice %arg15[%dma_start3A_184] : memref<640xf32, #tpu.memory_space<vmem>> -> memref<640xf32, #tpu.memory_space<vmem>>
      %dma_start3A_186 = tpu.memref_slice %arg7[%add3A_183] : memref<320000xf32, #tpu.memory_space<hbm>> -> memref<640xf32, #tpu.memory_space<hbm>>
      %dma_start3A_187 = arith.constant 0 : i32
      %dma_start3A_188 = tpu.memref_slice %arg15[%dma_start3A_187] : memref<640xf32, #tpu.memory_space<vmem>> -> memref<640xf32, #tpu.memory_space<vmem>>
      %dma_start3A_189 = tpu.memref_slice %arg7[%add3A_183] : memref<320000xf32, #tpu.memory_space<hbm>> -> memref<640xf32, #tpu.memory_space<hbm>>
      tpu.enqueue_dma source(%dma_start3A_189 : memref<640xf32, #tpu.memory_space<hbm>>) target(%dma_start3A_188 : memref<640xf32, #tpu.memory_space<vmem>>) target_semaphore(%arg23 : memref<!tpu.dma_semaphore, #tpu.memory_space<semaphore_mem>>)
    } else {
    }
    %eq3A_33 = arith.constant 0 : i32
    %eq3A_34 = arith.cmpi eq, %arg0, %eq3A_33 : i32
    %convert_element_type3A_35 = arith.extui %eq3A_34 : i1 to i32
    %cond3A_36 = arith.constant 0 : i32
    %cond3A_37 = arith.cmpi ne, %convert_element_type3A_35, %cond3A_36 : i32
    scf.if %cond3A_37 {
      %add3A_160 = arith.constant 0 : i32
      %add3A_161 = arith.addi %mul3A_25, %add3A_160 : i32
      %dma_wait3A_162 = arith.constant 0 : i32
      %dma_wait3A_163 = arith.constant 0 : i32
      %dma_wait3A_164 = tpu.memref_slice %arg11[%dma_wait3A_163] : memref<640xi32, #tpu.memory_space<vmem>> -> memref<640xi32, #tpu.memory_space<vmem>>
      %dma_wait3A_165 = tpu.memref_slice %arg4[%dma_wait3A_162, %add3A_161] : memref<2x320000xi32, #tpu.memory_space<hbm>> -> memref<1x640xi32, #tpu.memory_space<hbm>>
      %dma_wait3A_166 = tpu.memref_squeeze %dma_wait3A_165 : memref<1x640xi32, #tpu.memory_space<hbm>> -> memref<640xi32, #tpu.memory_space<hbm>>
      %dma_wait3A_167 = arith.constant 0 : i32
      %dma_wait3A_168 = tpu.memref_slice %arg11[%dma_wait3A_167] : memref<640xi32, #tpu.memory_space<vmem>> -> memref<640xi32, #tpu.memory_space<vmem>>
      %dma_wait3A_169 = tpu.memref_slice %arg4[%dma_wait3A_162, %add3A_161] : memref<2x320000xi32, #tpu.memory_space<hbm>> -> memref<1x640xi32, #tpu.memory_space<hbm>>
      %dma_wait3A_170 = tpu.memref_squeeze %dma_wait3A_169 : memref<1x640xi32, #tpu.memory_space<hbm>> -> memref<640xi32, #tpu.memory_space<hbm>>
      tpu.wait_dma2 semaphore(%arg23 : memref<!tpu.dma_semaphore, #tpu.memory_space<semaphore_mem>>) src(%dma_wait3A_170 : memref<640xi32, #tpu.memory_space<hbm>>) dst(%dma_wait3A_168 : memref<640xi32, #tpu.memory_space<vmem>>)
      %add3A_171 = arith.constant 0 : i32
      %add3A_172 = arith.addi %mul3A_25, %add3A_171 : i32
      %dma_wait3A_173 = arith.constant 1 : i32
      %dma_wait3A_174 = arith.constant 0 : i32
      %dma_wait3A_175 = tpu.memref_slice %arg13[%dma_wait3A_174] : memref<640xi32, #tpu.memory_space<vmem>> -> memref<640xi32, #tpu.memory_space<vmem>>
      %dma_wait3A_176 = tpu.memref_slice %arg4[%dma_wait3A_173, %add3A_172] : memref<2x320000xi32, #tpu.memory_space<hbm>> -> memref<1x640xi32, #tpu.memory_space<hbm>>
      %dma_wait3A_177 = tpu.memref_squeeze %dma_wait3A_176 : memref<1x640xi32, #tpu.memory_space<hbm>> -> memref<640xi32, #tpu.memory_space<hbm>>
      %dma_wait3A_178 = arith.constant 0 : i32
      %dma_wait3A_179 = tpu.memref_slice %arg13[%dma_wait3A_178] : memref<640xi32, #tpu.memory_space<vmem>> -> memref<640xi32, #tpu.memory_space<vmem>>
      %dma_wait3A_180 = tpu.memref_slice %arg4[%dma_wait3A_173, %add3A_172] : memref<2x320000xi32, #tpu.memory_space<hbm>> -> memref<1x640xi32, #tpu.memory_space<hbm>>
      %dma_wait3A_181 = tpu.memref_squeeze %dma_wait3A_180 : memref<1x640xi32, #tpu.memory_space<hbm>> -> memref<640xi32, #tpu.memory_space<hbm>>
      tpu.wait_dma2 semaphore(%arg23 : memref<!tpu.dma_semaphore, #tpu.memory_space<semaphore_mem>>) src(%dma_wait3A_181 : memref<640xi32, #tpu.memory_space<hbm>>) dst(%dma_wait3A_179 : memref<640xi32, #tpu.memory_space<vmem>>)
      %add3A_182 = arith.constant 0 : i32
      %add3A_183 = arith.addi %mul3A_25, %add3A_182 : i32
      %dma_wait3A_184 = arith.constant 0 : i32
      %dma_wait3A_185 = tpu.memref_slice %arg15[%dma_wait3A_184] : memref<640xf32, #tpu.memory_space<vmem>> -> memref<640xf32, #tpu.memory_space<vmem>>
      %dma_wait3A_186 = tpu.memref_slice %arg6[%add3A_183] : memref<320000xf32, #tpu.memory_space<hbm>> -> memref<640xf32, #tpu.memory_space<hbm>>
      %dma_wait3A_187 = arith.constant 0 : i32
      %dma_wait3A_188 = tpu.memref_slice %arg15[%dma_wait3A_187] : memref<640xf32, #tpu.memory_space<vmem>> -> memref<640xf32, #tpu.memory_space<vmem>>
      %dma_wait3A_189 = tpu.memref_slice %arg6[%add3A_183] : memref<320000xf32, #tpu.memory_space<hbm>> -> memref<640xf32, #tpu.memory_space<hbm>>
      tpu.wait_dma2 semaphore(%arg23 : memref<!tpu.dma_semaphore, #tpu.memory_space<semaphore_mem>>) src(%dma_wait3A_189 : memref<640xf32, #tpu.memory_space<hbm>>) dst(%dma_wait3A_188 : memref<640xf32, #tpu.memory_space<vmem>>)
    } else {
    }
    %eq3A_38 = arith.constant 1 : i32
    %eq3A_39 = arith.cmpi eq, %arg0, %eq3A_38 : i32
    %convert_element_type3A_40 = arith.extui %eq3A_39 : i1 to i32
    %cond3A_41 = arith.constant 0 : i32
    %cond3A_42 = arith.cmpi ne, %convert_element_type3A_40, %cond3A_41 : i32
    scf.if %cond3A_42 {
      %add3A_160 = arith.constant 0 : i32
      %add3A_161 = arith.addi %mul3A_25, %add3A_160 : i32
      %dma_wait3A_162 = arith.constant 0 : i32
      %dma_wait3A_163 = arith.constant 0 : i32
      %dma_wait3A_164 = tpu.memref_slice %arg11[%dma_wait3A_163] : memref<640xi32, #tpu.memory_space<vmem>> -> memref<640xi32, #tpu.memory_space<vmem>>
      %dma_wait3A_165 = tpu.memref_slice %arg5[%dma_wait3A_162, %add3A_161] : memref<2x320000xi32, #tpu.memory_space<hbm>> -> memref<1x640xi32, #tpu.memory_space<hbm>>
      %dma_wait3A_166 = tpu.memref_squeeze %dma_wait3A_165 : memref<1x640xi32, #tpu.memory_space<hbm>> -> memref<640xi32, #tpu.memory_space<hbm>>
      %dma_wait3A_167 = arith.constant 0 : i32
      %dma_wait3A_168 = tpu.memref_slice %arg11[%dma_wait3A_167] : memref<640xi32, #tpu.memory_space<vmem>> -> memref<640xi32, #tpu.memory_space<vmem>>
      %dma_wait3A_169 = tpu.memref_slice %arg5[%dma_wait3A_162, %add3A_161] : memref<2x320000xi32, #tpu.memory_space<hbm>> -> memref<1x640xi32, #tpu.memory_space<hbm>>
      %dma_wait3A_170 = tpu.memref_squeeze %dma_wait3A_169 : memref<1x640xi32, #tpu.memory_space<hbm>> -> memref<640xi32, #tpu.memory_space<hbm>>
      tpu.wait_dma2 semaphore(%arg23 : memref<!tpu.dma_semaphore, #tpu.memory_space<semaphore_mem>>) src(%dma_wait3A_170 : memref<640xi32, #tpu.memory_space<hbm>>) dst(%dma_wait3A_168 : memref<640xi32, #tpu.memory_space<vmem>>)
      %add3A_171 = arith.constant 0 : i32
      %add3A_172 = arith.addi %mul3A_25, %add3A_171 : i32
      %dma_wait3A_173 = arith.constant 1 : i32
      %dma_wait3A_174 = arith.constant 0 : i32
      %dma_wait3A_175 = tpu.memref_slice %arg13[%dma_wait3A_174] : memref<640xi32, #tpu.memory_space<vmem>> -> memref<640xi32, #tpu.memory_space<vmem>>
      %dma_wait3A_176 = tpu.memref_slice %arg5[%dma_wait3A_173, %add3A_172] : memref<2x320000xi32, #tpu.memory_space<hbm>> -> memref<1x640xi32, #tpu.memory_space<hbm>>
      %dma_wait3A_177 = tpu.memref_squeeze %dma_wait3A_176 : memref<1x640xi32, #tpu.memory_space<hbm>> -> memref<640xi32, #tpu.memory_space<hbm>>
      %dma_wait3A_178 = arith.constant 0 : i32
      %dma_wait3A_179 = tpu.memref_slice %arg13[%dma_wait3A_178] : memref<640xi32, #tpu.memory_space<vmem>> -> memref<640xi32, #tpu.memory_space<vmem>>
      %dma_wait3A_180 = tpu.memref_slice %arg5[%dma_wait3A_173, %add3A_172] : memref<2x320000xi32, #tpu.memory_space<hbm>> -> memref<1x640xi32, #tpu.memory_space<hbm>>
      %dma_wait3A_181 = tpu.memref_squeeze %dma_wait3A_180 : memref<1x640xi32, #tpu.memory_space<hbm>> -> memref<640xi32, #tpu.memory_space<hbm>>
      tpu.wait_dma2 semaphore(%arg23 : memref<!tpu.dma_semaphore, #tpu.memory_space<semaphore_mem>>) src(%dma_wait3A_181 : memref<640xi32, #tpu.memory_space<hbm>>) dst(%dma_wait3A_179 : memref<640xi32, #tpu.memory_space<vmem>>)
      %add3A_182 = arith.constant 0 : i32
      %add3A_183 = arith.addi %mul3A_25, %add3A_182 : i32
      %dma_wait3A_184 = arith.constant 0 : i32
      %dma_wait3A_185 = tpu.memref_slice %arg15[%dma_wait3A_184] : memref<640xf32, #tpu.memory_space<vmem>> -> memref<640xf32, #tpu.memory_space<vmem>>
      %dma_wait3A_186 = tpu.memref_slice %arg7[%add3A_183] : memref<320000xf32, #tpu.memory_space<hbm>> -> memref<640xf32, #tpu.memory_space<hbm>>
      %dma_wait3A_187 = arith.constant 0 : i32
      %dma_wait3A_188 = tpu.memref_slice %arg15[%dma_wait3A_187] : memref<640xf32, #tpu.memory_space<vmem>> -> memref<640xf32, #tpu.memory_space<vmem>>
      %dma_wait3A_189 = tpu.memref_slice %arg7[%add3A_183] : memref<320000xf32, #tpu.memory_space<hbm>> -> memref<640xf32, #tpu.memory_space<hbm>>
      tpu.wait_dma2 semaphore(%arg23 : memref<!tpu.dma_semaphore, #tpu.memory_space<semaphore_mem>>) src(%dma_wait3A_189 : memref<640xf32, #tpu.memory_space<hbm>>) dst(%dma_wait3A_188 : memref<640xf32, #tpu.memory_space<vmem>>)
    } else {
    }
    %eq3A_43 = arith.constant 0 : i32
    %eq3A_44 = arith.cmpi eq, %arg0, %eq3A_43 : i32
    %convert_element_type3A_45 = arith.extui %eq3A_44 : i1 to i32
    %cond3A_46 = arith.constant 0 : i32
    %cond3A_47 = arith.cmpi ne, %convert_element_type3A_45, %cond3A_46 : i32
    scf.if %cond3A_47 {
      %dma_start3A_160 = arith.constant 0 : i32
      %dma_start3A_161 = arith.constant 0 : i32
      %dma_start3A_162 = tpu.memref_slice %arg18[%dma_start3A_160, %dma_start3A_161] : memref<640x64xf32, #tpu.memory_space<vmem>> -> memref<640x64xf32, #tpu.memory_space<vmem>>
      %dma_start3A_163 = arith.constant 0 : i32
      %dma_start3A_164 = tpu.memref_slice %arg11[%dma_start3A_163] : memref<640xi32, #tpu.memory_space<vmem>> -> memref<640xi32, #tpu.memory_space<vmem>>
      %dma_start3A_165 = arith.constant 0 : i32
      %dma_start3A_166 = arith.constant 0 : i32
      %dma_start3A_167 = tpu.memref_slice %arg2[%dma_start3A_165, %dma_start3A_166] : memref<10000x64xf32, #tpu.memory_space<hbm>> -> memref<10000x64xf32, #tpu.memory_space<hbm>>
      tpu.enqueue_indirect_dma source(%dma_start3A_167 : memref<10000x64xf32, #tpu.memory_space<hbm>>) target(%dma_start3A_162 : memref<640x64xf32, #tpu.memory_space<vmem>>) offsets(%dma_start3A_164 : memref<640xi32, #tpu.memory_space<vmem>>) semaphore(%arg24 : memref<!tpu.dma_semaphore, #tpu.memory_space<semaphore_mem>>)
    } else {
    }
    %eq3A_48 = arith.constant 1 : i32
    %eq3A_49 = arith.cmpi eq, %arg0, %eq3A_48 : i32
    %convert_element_type3A_50 = arith.extui %eq3A_49 : i1 to i32
    %cond3A_51 = arith.constant 0 : i32
    %cond3A_52 = arith.cmpi ne, %convert_element_type3A_50, %cond3A_51 : i32
    scf.if %cond3A_52 {
      %dma_start3A_160 = arith.constant 0 : i32
      %dma_start3A_161 = arith.constant 0 : i32
      %dma_start3A_162 = tpu.memref_slice %arg18[%dma_start3A_160, %dma_start3A_161] : memref<640x64xf32, #tpu.memory_space<vmem>> -> memref<640x64xf32, #tpu.memory_space<vmem>>
      %dma_start3A_163 = arith.constant 0 : i32
      %dma_start3A_164 = tpu.memref_slice %arg11[%dma_start3A_163] : memref<640xi32, #tpu.memory_space<vmem>> -> memref<640xi32, #tpu.memory_space<vmem>>
      %dma_start3A_165 = arith.constant 0 : i32
      %dma_start3A_166 = arith.constant 0 : i32
      %dma_start3A_167 = tpu.memref_slice %arg3[%dma_start3A_165, %dma_start3A_166] : memref<10000x64xf32, #tpu.memory_space<hbm>> -> memref<10000x64xf32, #tpu.memory_space<hbm>>
      tpu.enqueue_indirect_dma source(%dma_start3A_167 : memref<10000x64xf32, #tpu.memory_space<hbm>>) target(%dma_start3A_162 : memref<640x64xf32, #tpu.memory_space<vmem>>) offsets(%dma_start3A_164 : memref<640xi32, #tpu.memory_space<vmem>>) semaphore(%arg24 : memref<!tpu.dma_semaphore, #tpu.memory_space<semaphore_mem>>)
    } else {
    }
    %eq3A_53 = arith.constant 0 : i32
    %eq3A_54 = arith.cmpi eq, %arg0, %eq3A_53 : i32
    %convert_element_type3A_55 = arith.extui %eq3A_54 : i1 to i32
    %cond3A_56 = arith.constant 0 : i32
    %cond3A_57 = arith.cmpi ne, %convert_element_type3A_55, %cond3A_56 : i32
    scf.if %cond3A_57 {
      %add3A_160 = arith.constant 640 : i32
      %add3A_161 = arith.addi %mul3A_25, %add3A_160 : i32
      %dma_start3A_162 = arith.constant 0 : i32
      %dma_start3A_163 = arith.constant 0 : i32
      %dma_start3A_164 = tpu.memref_slice %arg12[%dma_start3A_163] : memref<640xi32, #tpu.memory_space<vmem>> -> memref<640xi32, #tpu.memory_space<vmem>>
      %dma_start3A_165 = tpu.memref_slice %arg4[%dma_start3A_162, %add3A_161] : memref<2x320000xi32, #tpu.memory_space<hbm>> -> memref<1x640xi32, #tpu.memory_space<hbm>>
      %dma_start3A_166 = tpu.memref_squeeze %dma_start3A_165 : memref<1x640xi32, #tpu.memory_space<hbm>> -> memref<640xi32, #tpu.memory_space<hbm>>
      %dma_start3A_167 = arith.constant 0 : i32
      %dma_start3A_168 = tpu.memref_slice %arg12[%dma_start3A_167] : memref<640xi32, #tpu.memory_space<vmem>> -> memref<640xi32, #tpu.memory_space<vmem>>
      %dma_start3A_169 = tpu.memref_slice %arg4[%dma_start3A_162, %add3A_161] : memref<2x320000xi32, #tpu.memory_space<hbm>> -> memref<1x640xi32, #tpu.memory_space<hbm>>
      %dma_start3A_170 = tpu.memref_squeeze %dma_start3A_169 : memref<1x640xi32, #tpu.memory_space<hbm>> -> memref<640xi32, #tpu.memory_space<hbm>>
      tpu.enqueue_dma source(%dma_start3A_170 : memref<640xi32, #tpu.memory_space<hbm>>) target(%dma_start3A_168 : memref<640xi32, #tpu.memory_space<vmem>>) target_semaphore(%arg23 : memref<!tpu.dma_semaphore, #tpu.memory_space<semaphore_mem>>)
      %add3A_171 = arith.constant 640 : i32
      %add3A_172 = arith.addi %mul3A_25, %add3A_171 : i32
      %dma_start3A_173 = arith.constant 1 : i32
      %dma_start3A_174 = arith.constant 0 : i32
      %dma_start3A_175 = tpu.memref_slice %arg14[%dma_start3A_174] : memref<640xi32, #tpu.memory_space<vmem>> -> memref<640xi32, #tpu.memory_space<vmem>>
      %dma_start3A_176 = tpu.memref_slice %arg4[%dma_start3A_173, %add3A_172] : memref<2x320000xi32, #tpu.memory_space<hbm>> -> memref<1x640xi32, #tpu.memory_space<hbm>>
      %dma_start3A_177 = tpu.memref_squeeze %dma_start3A_176 : memref<1x640xi32, #tpu.memory_space<hbm>> -> memref<640xi32, #tpu.memory_space<hbm>>
      %dma_start3A_178 = arith.constant 0 : i32
      %dma_start3A_179 = tpu.memref_slice %arg14[%dma_start3A_178] : memref<640xi32, #tpu.memory_space<vmem>> -> memref<640xi32, #tpu.memory_space<vmem>>
      %dma_start3A_180 = tpu.memref_slice %arg4[%dma_start3A_173, %add3A_172] : memref<2x320000xi32, #tpu.memory_space<hbm>> -> memref<1x640xi32, #tpu.memory_space<hbm>>
      %dma_start3A_181 = tpu.memref_squeeze %dma_start3A_180 : memref<1x640xi32, #tpu.memory_space<hbm>> -> memref<640xi32, #tpu.memory_space<hbm>>
      tpu.enqueue_dma source(%dma_start3A_181 : memref<640xi32, #tpu.memory_space<hbm>>) target(%dma_start3A_179 : memref<640xi32, #tpu.memory_space<vmem>>) target_semaphore(%arg23 : memref<!tpu.dma_semaphore, #tpu.memory_space<semaphore_mem>>)
      %add3A_182 = arith.constant 640 : i32
      %add3A_183 = arith.addi %mul3A_25, %add3A_182 : i32
      %dma_start3A_184 = arith.constant 0 : i32
      %dma_start3A_185 = tpu.memref_slice %arg16[%dma_start3A_184] : memref<640xf32, #tpu.memory_space<vmem>> -> memref<640xf32, #tpu.memory_space<vmem>>
      %dma_start3A_186 = tpu.memref_slice %arg6[%add3A_183] : memref<320000xf32, #tpu.memory_space<hbm>> -> memref<640xf32, #tpu.memory_space<hbm>>
      %dma_start3A_187 = arith.constant 0 : i32
      %dma_start3A_188 = tpu.memref_slice %arg16[%dma_start3A_187] : memref<640xf32, #tpu.memory_space<vmem>> -> memref<640xf32, #tpu.memory_space<vmem>>
      %dma_start3A_189 = tpu.memref_slice %arg6[%add3A_183] : memref<320000xf32, #tpu.memory_space<hbm>> -> memref<640xf32, #tpu.memory_space<hbm>>
      tpu.enqueue_dma source(%dma_start3A_189 : memref<640xf32, #tpu.memory_space<hbm>>) target(%dma_start3A_188 : memref<640xf32, #tpu.memory_space<vmem>>) target_semaphore(%arg23 : memref<!tpu.dma_semaphore, #tpu.memory_space<semaphore_mem>>)
    } else {
    }
    %eq3A_58 = arith.constant 1 : i32
    %eq3A_59 = arith.cmpi eq, %arg0, %eq3A_58 : i32
    %convert_element_type3A_60 = arith.extui %eq3A_59 : i1 to i32
    %cond3A_61 = arith.constant 0 : i32
    %cond3A_62 = arith.cmpi ne, %convert_element_type3A_60, %cond3A_61 : i32
    scf.if %cond3A_62 {
      %add3A_160 = arith.constant 640 : i32
      %add3A_161 = arith.addi %mul3A_25, %add3A_160 : i32
      %dma_start3A_162 = arith.constant 0 : i32
      %dma_start3A_163 = arith.constant 0 : i32
      %dma_start3A_164 = tpu.memref_slice %arg12[%dma_start3A_163] : memref<640xi32, #tpu.memory_space<vmem>> -> memref<640xi32, #tpu.memory_space<vmem>>
      %dma_start3A_165 = tpu.memref_slice %arg5[%dma_start3A_162, %add3A_161] : memref<2x320000xi32, #tpu.memory_space<hbm>> -> memref<1x640xi32, #tpu.memory_space<hbm>>
      %dma_start3A_166 = tpu.memref_squeeze %dma_start3A_165 : memref<1x640xi32, #tpu.memory_space<hbm>> -> memref<640xi32, #tpu.memory_space<hbm>>
      %dma_start3A_167 = arith.constant 0 : i32
      %dma_start3A_168 = tpu.memref_slice %arg12[%dma_start3A_167] : memref<640xi32, #tpu.memory_space<vmem>> -> memref<640xi32, #tpu.memory_space<vmem>>
      %dma_start3A_169 = tpu.memref_slice %arg5[%dma_start3A_162, %add3A_161] : memref<2x320000xi32, #tpu.memory_space<hbm>> -> memref<1x640xi32, #tpu.memory_space<hbm>>
      %dma_start3A_170 = tpu.memref_squeeze %dma_start3A_169 : memref<1x640xi32, #tpu.memory_space<hbm>> -> memref<640xi32, #tpu.memory_space<hbm>>
      tpu.enqueue_dma source(%dma_start3A_170 : memref<640xi32, #tpu.memory_space<hbm>>) target(%dma_start3A_168 : memref<640xi32, #tpu.memory_space<vmem>>) target_semaphore(%arg23 : memref<!tpu.dma_semaphore, #tpu.memory_space<semaphore_mem>>)
      %add3A_171 = arith.constant 640 : i32
      %add3A_172 = arith.addi %mul3A_25, %add3A_171 : i32
      %dma_start3A_173 = arith.constant 1 : i32
      %dma_start3A_174 = arith.constant 0 : i32
      %dma_start3A_175 = tpu.memref_slice %arg14[%dma_start3A_174] : memref<640xi32, #tpu.memory_space<vmem>> -> memref<640xi32, #tpu.memory_space<vmem>>
      %dma_start3A_176 = tpu.memref_slice %arg5[%dma_start3A_173, %add3A_172] : memref<2x320000xi32, #tpu.memory_space<hbm>> -> memref<1x640xi32, #tpu.memory_space<hbm>>
      %dma_start3A_177 = tpu.memref_squeeze %dma_start3A_176 : memref<1x640xi32, #tpu.memory_space<hbm>> -> memref<640xi32, #tpu.memory_space<hbm>>
      %dma_start3A_178 = arith.constant 0 : i32
      %dma_start3A_179 = tpu.memref_slice %arg14[%dma_start3A_178] : memref<640xi32, #tpu.memory_space<vmem>> -> memref<640xi32, #tpu.memory_space<vmem>>
      %dma_start3A_180 = tpu.memref_slice %arg5[%dma_start3A_173, %add3A_172] : memref<2x320000xi32, #tpu.memory_space<hbm>> -> memref<1x640xi32, #tpu.memory_space<hbm>>
      %dma_start3A_181 = tpu.memref_squeeze %dma_start3A_180 : memref<1x640xi32, #tpu.memory_space<hbm>> -> memref<640xi32, #tpu.memory_space<hbm>>
      tpu.enqueue_dma source(%dma_start3A_181 : memref<640xi32, #tpu.memory_space<hbm>>) target(%dma_start3A_179 : memref<640xi32, #tpu.memory_space<vmem>>) target_semaphore(%arg23 : memref<!tpu.dma_semaphore, #tpu.memory_space<semaphore_mem>>)
      %add3A_182 = arith.constant 640 : i32
      %add3A_183 = arith.addi %mul3A_25, %add3A_182 : i32
      %dma_start3A_184 = arith.constant 0 : i32
      %dma_start3A_185 = tpu.memref_slice %arg16[%dma_start3A_184] : memref<640xf32, #tpu.memory_space<vmem>> -> memref<640xf32, #tpu.memory_space<vmem>>
      %dma_start3A_186 = tpu.memref_slice %arg7[%add3A_183] : memref<320000xf32, #tpu.memory_space<hbm>> -> memref<640xf32, #tpu.memory_space<hbm>>
      %dma_start3A_187 = arith.constant 0 : i32
      %dma_start3A_188 = tpu.memref_slice %arg16[%dma_start3A_187] : memref<640xf32, #tpu.memory_space<vmem>> -> memref<640xf32, #tpu.memory_space<vmem>>
      %dma_start3A_189 = tpu.memref_slice %arg7[%add3A_183] : memref<320000xf32, #tpu.memory_space<hbm>> -> memref<640xf32, #tpu.memory_space<hbm>>
      tpu.enqueue_dma source(%dma_start3A_189 : memref<640xf32, #tpu.memory_space<hbm>>) target(%dma_start3A_188 : memref<640xf32, #tpu.memory_space<vmem>>) target_semaphore(%arg23 : memref<!tpu.dma_semaphore, #tpu.memory_space<semaphore_mem>>)
    } else {
    }
    %scan3A_63 = arith.constant 0 : i32
    %scan3A_64 = arith.constant 0 : i32
    %scan3A_65 = arith.constant 16 : i32
    %scan3A_66 = arith.addi %scan3A_64, %scan3A_65 : i32
    %scan3A_67 = arith.constant 1 : i32
    %scan3A_68 = scf.for %scan3A_160 = %scan3A_64 to %scan3A_66 step %scan3A_67 iter_args(%scan3A_161 = %scan3A_63) -> (i32)  : i32 {
      %mul3A_162 = arith.constant 2 : i32
      %mul3A_163 = arith.muli %mul3A_162, %scan3A_160 : i32
      %add3A_164 = arith.constant 0 : i32
      %add3A_165 = arith.addi %mul3A_163, %add3A_164 : i32
      %lt3A_166 = arith.constant 31 : i32
      %lt3A_167 = arith.cmpi slt, %add3A_165, %lt3A_166 : i32
      %convert_element_type3A_168 = arith.extui %lt3A_167 : i1 to i32
      %cond3A_169 = arith.constant 0 : i32
      %cond3A_170 = arith.cmpi ne, %convert_element_type3A_168, %cond3A_169 : i32
      scf.if %cond3A_170 {
        %eq3A_181 = arith.constant 0 : i32
        %eq3A_182 = arith.cmpi eq, %arg0, %eq3A_181 : i32
        %convert_element_type3A_183 = arith.extui %eq3A_182 : i1 to i32
        %cond3A_184 = arith.constant 0 : i32
        %cond3A_185 = arith.cmpi ne, %convert_element_type3A_183, %cond3A_184 : i32
        scf.if %cond3A_185 {
          %dma_wait3A_245 = arith.constant 0 : i32
          %dma_wait3A_246 = arith.constant 0 : i32
          %dma_wait3A_247 = tpu.memref_slice %arg18[%dma_wait3A_245, %dma_wait3A_246] : memref<640x64xf32, #tpu.memory_space<vmem>> -> memref<640x64xf32, #tpu.memory_space<vmem>>
          %dma_wait3A_248 = arith.constant 0 : i32
          %dma_wait3A_249 = tpu.memref_slice %arg11[%dma_wait3A_248] : memref<640xi32, #tpu.memory_space<vmem>> -> memref<640xi32, #tpu.memory_space<vmem>>
          %dma_wait3A_250 = arith.constant 0 : i32
          %dma_wait3A_251 = arith.constant 0 : i32
          %dma_wait3A_252 = tpu.memref_slice %arg2[%dma_wait3A_250, %dma_wait3A_251] : memref<10000x64xf32, #tpu.memory_space<hbm>> -> memref<10000x64xf32, #tpu.memory_space<hbm>>
          tpu.wait_indirect_dma semaphore(%arg24 : memref<!tpu.dma_semaphore, #tpu.memory_space<semaphore_mem>>) src(%dma_wait3A_252 : memref<10000x64xf32, #tpu.memory_space<hbm>>) dst(%dma_wait3A_247 : memref<640x64xf32, #tpu.memory_space<vmem>>)
        } else {
        }
        %eq3A_186 = arith.constant 1 : i32
        %eq3A_187 = arith.cmpi eq, %arg0, %eq3A_186 : i32
        %convert_element_type3A_188 = arith.extui %eq3A_187 : i1 to i32
        %cond3A_189 = arith.constant 0 : i32
        %cond3A_190 = arith.cmpi ne, %convert_element_type3A_188, %cond3A_189 : i32
        scf.if %cond3A_190 {
          %dma_wait3A_245 = arith.constant 0 : i32
          %dma_wait3A_246 = arith.constant 0 : i32
          %dma_wait3A_247 = tpu.memref_slice %arg18[%dma_wait3A_245, %dma_wait3A_246] : memref<640x64xf32, #tpu.memory_space<vmem>> -> memref<640x64xf32, #tpu.memory_space<vmem>>
          %dma_wait3A_248 = arith.constant 0 : i32
          %dma_wait3A_249 = tpu.memref_slice %arg11[%dma_wait3A_248] : memref<640xi32, #tpu.memory_space<vmem>> -> memref<640xi32, #tpu.memory_space<vmem>>
          %dma_wait3A_250 = arith.constant 0 : i32
          %dma_wait3A_251 = arith.constant 0 : i32
          %dma_wait3A_252 = tpu.memref_slice %arg3[%dma_wait3A_250, %dma_wait3A_251] : memref<10000x64xf32, #tpu.memory_space<hbm>> -> memref<10000x64xf32, #tpu.memory_space<hbm>>
          tpu.wait_indirect_dma semaphore(%arg24 : memref<!tpu.dma_semaphore, #tpu.memory_space<semaphore_mem>>) src(%dma_wait3A_252 : memref<10000x64xf32, #tpu.memory_space<hbm>>) dst(%dma_wait3A_247 : memref<640x64xf32, #tpu.memory_space<vmem>>)
        } else {
        }
        %add3A_191 = arith.constant 1 : i32
        %add3A_192 = arith.addi %add3A_165, %add3A_191 : i32
        %lt3A_193 = arith.constant 31 : i32
        %lt3A_194 = arith.cmpi slt, %add3A_192, %lt3A_193 : i32
        %convert_element_type3A_195 = arith.extui %lt3A_194 : i1 to i32
        %cond3A_196 = arith.constant 0 : i32
        %cond3A_197 = arith.cmpi ne, %convert_element_type3A_195, %cond3A_196 : i32
        scf.if %cond3A_197 {
          %add3A_245 = arith.constant 1 : i32
          %add3A_246 = arith.addi %add3A_165, %add3A_245 : i32
          %eq3A_247 = arith.constant 0 : i32
          %eq3A_248 = arith.cmpi eq, %arg0, %eq3A_247 : i32
          %convert_element_type3A_249 = arith.extui %eq3A_248 : i1 to i32
          %cond3A_250 = arith.constant 0 : i32
          %cond3A_251 = arith.cmpi ne, %convert_element_type3A_249, %cond3A_250 : i32
          scf.if %cond3A_251 {
            %mul3A_267 = arith.constant 640 : i32
            %mul3A_268 = arith.muli %add3A_246, %mul3A_267 : i32
            %add3A_269 = arith.addi %mul3A_25, %mul3A_268 : i32
            %dma_wait3A_270 = arith.constant 0 : i32
            %dma_wait3A_271 = arith.constant 0 : i32
            %dma_wait3A_272 = tpu.memref_slice %arg12[%dma_wait3A_271] : memref<640xi32, #tpu.memory_space<vmem>> -> memref<640xi32, #tpu.memory_space<vmem>>
            %dma_wait3A_273 = tpu.memref_slice %arg4[%dma_wait3A_270, %add3A_269] : memref<2x320000xi32, #tpu.memory_space<hbm>> -> memref<1x640xi32, #tpu.memory_space<hbm>>
            %dma_wait3A_274 = tpu.memref_squeeze %dma_wait3A_273 : memref<1x640xi32, #tpu.memory_space<hbm>> -> memref<640xi32, #tpu.memory_space<hbm>>
            %dma_wait3A_275 = arith.constant 0 : i32
            %dma_wait3A_276 = tpu.memref_slice %arg12[%dma_wait3A_275] : memref<640xi32, #tpu.memory_space<vmem>> -> memref<640xi32, #tpu.memory_space<vmem>>
            %dma_wait3A_277 = tpu.memref_slice %arg4[%dma_wait3A_270, %add3A_269] : memref<2x320000xi32, #tpu.memory_space<hbm>> -> memref<1x640xi32, #tpu.memory_space<hbm>>
            %dma_wait3A_278 = tpu.memref_squeeze %dma_wait3A_277 : memref<1x640xi32, #tpu.memory_space<hbm>> -> memref<640xi32, #tpu.memory_space<hbm>>
            tpu.wait_dma2 semaphore(%arg23 : memref<!tpu.dma_semaphore, #tpu.memory_space<semaphore_mem>>) src(%dma_wait3A_278 : memref<640xi32, #tpu.memory_space<hbm>>) dst(%dma_wait3A_276 : memref<640xi32, #tpu.memory_space<vmem>>)
            %mul3A_279 = arith.constant 640 : i32
            %mul3A_280 = arith.muli %add3A_246, %mul3A_279 : i32
            %add3A_281 = arith.addi %mul3A_25, %mul3A_280 : i32
            %dma_wait3A_282 = arith.constant 1 : i32
            %dma_wait3A_283 = arith.constant 0 : i32
            %dma_wait3A_284 = tpu.memref_slice %arg14[%dma_wait3A_283] : memref<640xi32, #tpu.memory_space<vmem>> -> memref<640xi32, #tpu.memory_space<vmem>>
            %dma_wait3A_285 = tpu.memref_slice %arg4[%dma_wait3A_282, %add3A_281] : memref<2x320000xi32, #tpu.memory_space<hbm>> -> memref<1x640xi32, #tpu.memory_space<hbm>>
            %dma_wait3A_286 = tpu.memref_squeeze %dma_wait3A_285 : memref<1x640xi32, #tpu.memory_space<hbm>> -> memref<640xi32, #tpu.memory_space<hbm>>
            %dma_wait3A_287 = arith.constant 0 : i32
            %dma_wait3A_288 = tpu.memref_slice %arg14[%dma_wait3A_287] : memref<640xi32, #tpu.memory_space<vmem>> -> memref<640xi32, #tpu.memory_space<vmem>>
            %dma_wait3A_289 = tpu.memref_slice %arg4[%dma_wait3A_282, %add3A_281] : memref<2x320000xi32, #tpu.memory_space<hbm>> -> memref<1x640xi32, #tpu.memory_space<hbm>>
            %dma_wait3A_290 = tpu.memref_squeeze %dma_wait3A_289 : memref<1x640xi32, #tpu.memory_space<hbm>> -> memref<640xi32, #tpu.memory_space<hbm>>
            tpu.wait_dma2 semaphore(%arg23 : memref<!tpu.dma_semaphore, #tpu.memory_space<semaphore_mem>>) src(%dma_wait3A_290 : memref<640xi32, #tpu.memory_space<hbm>>) dst(%dma_wait3A_288 : memref<640xi32, #tpu.memory_space<vmem>>)
            %mul3A_291 = arith.constant 640 : i32
            %mul3A_292 = arith.muli %add3A_246, %mul3A_291 : i32
            %add3A_293 = arith.addi %mul3A_25, %mul3A_292 : i32
            %dma_wait3A_294 = arith.constant 0 : i32
            %dma_wait3A_295 = tpu.memref_slice %arg16[%dma_wait3A_294] : memref<640xf32, #tpu.memory_space<vmem>> -> memref<640xf32, #tpu.memory_space<vmem>>
            %dma_wait3A_296 = tpu.memref_slice %arg6[%add3A_293] : memref<320000xf32, #tpu.memory_space<hbm>> -> memref<640xf32, #tpu.memory_space<hbm>>
            %dma_wait3A_297 = arith.constant 0 : i32
            %dma_wait3A_298 = tpu.memref_slice %arg16[%dma_wait3A_297] : memref<640xf32, #tpu.memory_space<vmem>> -> memref<640xf32, #tpu.memory_space<vmem>>
            %dma_wait3A_299 = tpu.memref_slice %arg6[%add3A_293] : memref<320000xf32, #tpu.memory_space<hbm>> -> memref<640xf32, #tpu.memory_space<hbm>>
            tpu.wait_dma2 semaphore(%arg23 : memref<!tpu.dma_semaphore, #tpu.memory_space<semaphore_mem>>) src(%dma_wait3A_299 : memref<640xf32, #tpu.memory_space<hbm>>) dst(%dma_wait3A_298 : memref<640xf32, #tpu.memory_space<vmem>>)
          } else {
          }
          %eq3A_252 = arith.constant 1 : i32
          %eq3A_253 = arith.cmpi eq, %arg0, %eq3A_252 : i32
          %convert_element_type3A_254 = arith.extui %eq3A_253 : i1 to i32
          %cond3A_255 = arith.constant 0 : i32
          %cond3A_256 = arith.cmpi ne, %convert_element_type3A_254, %cond3A_255 : i32
          scf.if %cond3A_256 {
            %mul3A_267 = arith.constant 640 : i32
            %mul3A_268 = arith.muli %add3A_246, %mul3A_267 : i32
            %add3A_269 = arith.addi %mul3A_25, %mul3A_268 : i32
            %dma_wait3A_270 = arith.constant 0 : i32
            %dma_wait3A_271 = arith.constant 0 : i32
            %dma_wait3A_272 = tpu.memref_slice %arg12[%dma_wait3A_271] : memref<640xi32, #tpu.memory_space<vmem>> -> memref<640xi32, #tpu.memory_space<vmem>>
            %dma_wait3A_273 = tpu.memref_slice %arg5[%dma_wait3A_270, %add3A_269] : memref<2x320000xi32, #tpu.memory_space<hbm>> -> memref<1x640xi32, #tpu.memory_space<hbm>>
            %dma_wait3A_274 = tpu.memref_squeeze %dma_wait3A_273 : memref<1x640xi32, #tpu.memory_space<hbm>> -> memref<640xi32, #tpu.memory_space<hbm>>
            %dma_wait3A_275 = arith.constant 0 : i32
            %dma_wait3A_276 = tpu.memref_slice %arg12[%dma_wait3A_275] : memref<640xi32, #tpu.memory_space<vmem>> -> memref<640xi32, #tpu.memory_space<vmem>>
            %dma_wait3A_277 = tpu.memref_slice %arg5[%dma_wait3A_270, %add3A_269] : memref<2x320000xi32, #tpu.memory_space<hbm>> -> memref<1x640xi32, #tpu.memory_space<hbm>>
            %dma_wait3A_278 = tpu.memref_squeeze %dma_wait3A_277 : memref<1x640xi32, #tpu.memory_space<hbm>> -> memref<640xi32, #tpu.memory_space<hbm>>
            tpu.wait_dma2 semaphore(%arg23 : memref<!tpu.dma_semaphore, #tpu.memory_space<semaphore_mem>>) src(%dma_wait3A_278 : memref<640xi32, #tpu.memory_space<hbm>>) dst(%dma_wait3A_276 : memref<640xi32, #tpu.memory_space<vmem>>)
            %mul3A_279 = arith.constant 640 : i32
            %mul3A_280 = arith.muli %add3A_246, %mul3A_279 : i32
            %add3A_281 = arith.addi %mul3A_25, %mul3A_280 : i32
            %dma_wait3A_282 = arith.constant 1 : i32
            %dma_wait3A_283 = arith.constant 0 : i32
            %dma_wait3A_284 = tpu.memref_slice %arg14[%dma_wait3A_283] : memref<640xi32, #tpu.memory_space<vmem>> -> memref<640xi32, #tpu.memory_space<vmem>>
            %dma_wait3A_285 = tpu.memref_slice %arg5[%dma_wait3A_282, %add3A_281] : memref<2x320000xi32, #tpu.memory_space<hbm>> -> memref<1x640xi32, #tpu.memory_space<hbm>>
            %dma_wait3A_286 = tpu.memref_squeeze %dma_wait3A_285 : memref<1x640xi32, #tpu.memory_space<hbm>> -> memref<640xi32, #tpu.memory_space<hbm>>
            %dma_wait3A_287 = arith.constant 0 : i32
            %dma_wait3A_288 = tpu.memref_slice %arg14[%dma_wait3A_287] : memref<640xi32, #tpu.memory_space<vmem>> -> memref<640xi32, #tpu.memory_space<vmem>>
            %dma_wait3A_289 = tpu.memref_slice %arg5[%dma_wait3A_282, %add3A_281] : memref<2x320000xi32, #tpu.memory_space<hbm>> -> memref<1x640xi32, #tpu.memory_space<hbm>>
            %dma_wait3A_290 = tpu.memref_squeeze %dma_wait3A_289 : memref<1x640xi32, #tpu.memory_space<hbm>> -> memref<640xi32, #tpu.memory_space<hbm>>
            tpu.wait_dma2 semaphore(%arg23 : memref<!tpu.dma_semaphore, #tpu.memory_space<semaphore_mem>>) src(%dma_wait3A_290 : memref<640xi32, #tpu.memory_space<hbm>>) dst(%dma_wait3A_288 : memref<640xi32, #tpu.memory_space<vmem>>)
            %mul3A_291 = arith.constant 640 : i32
            %mul3A_292 = arith.muli %add3A_246, %mul3A_291 : i32
            %add3A_293 = arith.addi %mul3A_25, %mul3A_292 : i32
            %dma_wait3A_294 = arith.constant 0 : i32
            %dma_wait3A_295 = tpu.memref_slice %arg16[%dma_wait3A_294] : memref<640xf32, #tpu.memory_space<vmem>> -> memref<640xf32, #tpu.memory_space<vmem>>
            %dma_wait3A_296 = tpu.memref_slice %arg7[%add3A_293] : memref<320000xf32, #tpu.memory_space<hbm>> -> memref<640xf32, #tpu.memory_space<hbm>>
            %dma_wait3A_297 = arith.constant 0 : i32
            %dma_wait3A_298 = tpu.memref_slice %arg16[%dma_wait3A_297] : memref<640xf32, #tpu.memory_space<vmem>> -> memref<640xf32, #tpu.memory_space<vmem>>
            %dma_wait3A_299 = tpu.memref_slice %arg7[%add3A_293] : memref<320000xf32, #tpu.memory_space<hbm>> -> memref<640xf32, #tpu.memory_space<hbm>>
            tpu.wait_dma2 semaphore(%arg23 : memref<!tpu.dma_semaphore, #tpu.memory_space<semaphore_mem>>) src(%dma_wait3A_299 : memref<640xf32, #tpu.memory_space<hbm>>) dst(%dma_wait3A_298 : memref<640xf32, #tpu.memory_space<vmem>>)
          } else {
          }
          %eq3A_257 = arith.constant 0 : i32
          %eq3A_258 = arith.cmpi eq, %arg0, %eq3A_257 : i32
          %convert_element_type3A_259 = arith.extui %eq3A_258 : i1 to i32
          %cond3A_260 = arith.constant 0 : i32
          %cond3A_261 = arith.cmpi ne, %convert_element_type3A_259, %cond3A_260 : i32
          scf.if %cond3A_261 {
            %dma_start3A_267 = arith.constant 0 : i32
            %dma_start3A_268 = arith.constant 0 : i32
            %dma_start3A_269 = tpu.memref_slice %arg19[%dma_start3A_267, %dma_start3A_268] : memref<640x64xf32, #tpu.memory_space<vmem>> -> memref<640x64xf32, #tpu.memory_space<vmem>>
            %dma_start3A_270 = arith.constant 0 : i32
            %dma_start3A_271 = tpu.memref_slice %arg12[%dma_start3A_270] : memref<640xi32, #tpu.memory_space<vmem>> -> memref<640xi32, #tpu.memory_space<vmem>>
            %dma_start3A_272 = arith.constant 0 : i32
            %dma_start3A_273 = arith.constant 0 : i32
            %dma_start3A_274 = tpu.memref_slice %arg2[%dma_start3A_272, %dma_start3A_273] : memref<10000x64xf32, #tpu.memory_space<hbm>> -> memref<10000x64xf32, #tpu.memory_space<hbm>>
            tpu.enqueue_indirect_dma source(%dma_start3A_274 : memref<10000x64xf32, #tpu.memory_space<hbm>>) target(%dma_start3A_269 : memref<640x64xf32, #tpu.memory_space<vmem>>) offsets(%dma_start3A_271 : memref<640xi32, #tpu.memory_space<vmem>>) semaphore(%arg24 : memref<!tpu.dma_semaphore, #tpu.memory_space<semaphore_mem>>)
          } else {
          }
          %eq3A_262 = arith.constant 1 : i32
          %eq3A_263 = arith.cmpi eq, %arg0, %eq3A_262 : i32
          %convert_element_type3A_264 = arith.extui %eq3A_263 : i1 to i32
          %cond3A_265 = arith.constant 0 : i32
          %cond3A_266 = arith.cmpi ne, %convert_element_type3A_264, %cond3A_265 : i32
          scf.if %cond3A_266 {
            %dma_start3A_267 = arith.constant 0 : i32
            %dma_start3A_268 = arith.constant 0 : i32
            %dma_start3A_269 = tpu.memref_slice %arg19[%dma_start3A_267, %dma_start3A_268] : memref<640x64xf32, #tpu.memory_space<vmem>> -> memref<640x64xf32, #tpu.memory_space<vmem>>
            %dma_start3A_270 = arith.constant 0 : i32
            %dma_start3A_271 = tpu.memref_slice %arg12[%dma_start3A_270] : memref<640xi32, #tpu.memory_space<vmem>> -> memref<640xi32, #tpu.memory_space<vmem>>
            %dma_start3A_272 = arith.constant 0 : i32
            %dma_start3A_273 = arith.constant 0 : i32
            %dma_start3A_274 = tpu.memref_slice %arg3[%dma_start3A_272, %dma_start3A_273] : memref<10000x64xf32, #tpu.memory_space<hbm>> -> memref<10000x64xf32, #tpu.memory_space<hbm>>
            tpu.enqueue_indirect_dma source(%dma_start3A_274 : memref<10000x64xf32, #tpu.memory_space<hbm>>) target(%dma_start3A_269 : memref<640x64xf32, #tpu.memory_space<vmem>>) offsets(%dma_start3A_271 : memref<640xi32, #tpu.memory_space<vmem>>) semaphore(%arg24 : memref<!tpu.dma_semaphore, #tpu.memory_space<semaphore_mem>>)
          } else {
          }
        } else {
        }
        %dma_start3A_198 = arith.constant 0 : i32
        %dma_start3A_199 = arith.constant 0 : i32
        %dma_start3A_200 = tpu.memref_slice %arg18[%dma_start3A_198, %dma_start3A_199] : memref<640x64xf32, #tpu.memory_space<vmem>> -> memref<640x64xf32, #tpu.memory_space<vmem>>
        %dma_start3A_201 = arith.constant 0 : i32
        %dma_start3A_202 = tpu.memref_slice %arg13[%dma_start3A_201] : memref<640xi32, #tpu.memory_space<vmem>> -> memref<640xi32, #tpu.memory_space<vmem>>
        %dma_start3A_203 = arith.constant 0 : i32
        %dma_start3A_204 = arith.constant 0 : i32
        %dma_start3A_205 = tpu.memref_slice %arg20[%dma_start3A_203, %dma_start3A_204] : memref<10240x64xf32, #tpu.memory_space<vmem_shared>> -> memref<10240x64xf32, #tpu.memory_space<vmem_shared>>
        tpu.enqueue_indirect_dma source(%dma_start3A_200 : memref<640x64xf32, #tpu.memory_space<vmem>>) target(%dma_start3A_205 : memref<10240x64xf32, #tpu.memory_space<vmem_shared>>) offsets(%dma_start3A_202 : memref<640xi32, #tpu.memory_space<vmem>>) semaphore(%arg25 : memref<!tpu.dma_semaphore, #tpu.memory_space<semaphore_mem>>) {add = true}
        %dma_start3A_206 = arith.constant 0 : i32
        %dma_start3A_207 = tpu.memref_slice %arg15[%dma_start3A_206] : memref<640xf32, #tpu.memory_space<vmem>> -> memref<640xf32, #tpu.memory_space<vmem>>
        %dma_start3A_208 = arith.constant 0 : i32
        %dma_start3A_209 = tpu.memref_slice %arg13[%dma_start3A_208] : memref<640xi32, #tpu.memory_space<vmem>> -> memref<640xi32, #tpu.memory_space<vmem>>
        %dma_start3A_210 = arith.constant 0 : i32
        %dma_start3A_211 = tpu.memref_slice %arg22[%dma_start3A_210] : memref<10240xf32, #tpu.memory_space<vmem_shared>> -> memref<10240xf32, #tpu.memory_space<vmem_shared>>
        tpu.enqueue_indirect_dma source(%dma_start3A_207 : memref<640xf32, #tpu.memory_space<vmem>>) target(%dma_start3A_211 : memref<10240xf32, #tpu.memory_space<vmem_shared>>) offsets(%dma_start3A_209 : memref<640xi32, #tpu.memory_space<vmem>>) semaphore(%arg25 : memref<!tpu.dma_semaphore, #tpu.memory_space<semaphore_mem>>) {add = true}
        %dma_start3A_212 = arith.constant 0 : i32
        %dma_start3A_213 = tpu.memref_slice %arg17[%dma_start3A_212] : memref<640xf32, #tpu.memory_space<vmem>> -> memref<640xf32, #tpu.memory_space<vmem>>
        %dma_start3A_214 = arith.constant 0 : i32
        %dma_start3A_215 = tpu.memref_slice %arg13[%dma_start3A_214] : memref<640xi32, #tpu.memory_space<vmem>> -> memref<640xi32, #tpu.memory_space<vmem>>
        %dma_start3A_216 = arith.constant 0 : i32
        %dma_start3A_217 = tpu.memref_slice %arg21[%dma_start3A_216] : memref<10240xf32, #tpu.memory_space<vmem_shared>> -> memref<10240xf32, #tpu.memory_space<vmem_shared>>
        tpu.enqueue_indirect_dma source(%dma_start3A_213 : memref<640xf32, #tpu.memory_space<vmem>>) target(%dma_start3A_217 : memref<10240xf32, #tpu.memory_space<vmem_shared>>) offsets(%dma_start3A_215 : memref<640xi32, #tpu.memory_space<vmem>>) semaphore(%arg25 : memref<!tpu.dma_semaphore, #tpu.memory_space<semaphore_mem>>) {add = true}
        %dma_wait3A_218 = arith.constant 0 : i32
        %dma_wait3A_219 = arith.constant 0 : i32
        %dma_wait3A_220 = tpu.memref_slice %arg18[%dma_wait3A_218, %dma_wait3A_219] : memref<640x64xf32, #tpu.memory_space<vmem>> -> memref<640x64xf32, #tpu.memory_space<vmem>>
        %dma_wait3A_221 = arith.constant 0 : i32
        %dma_wait3A_222 = tpu.memref_slice %arg13[%dma_wait3A_221] : memref<640xi32, #tpu.memory_space<vmem>> -> memref<640xi32, #tpu.memory_space<vmem>>
        %dma_wait3A_223 = arith.constant 0 : i32
        %dma_wait3A_224 = arith.constant 0 : i32
        %dma_wait3A_225 = tpu.memref_slice %arg20[%dma_wait3A_223, %dma_wait3A_224] : memref<10240x64xf32, #tpu.memory_space<vmem_shared>> -> memref<10240x64xf32, #tpu.memory_space<vmem_shared>>
        tpu.wait_indirect_dma semaphore(%arg25 : memref<!tpu.dma_semaphore, #tpu.memory_space<semaphore_mem>>) src(%dma_wait3A_220 : memref<640x64xf32, #tpu.memory_space<vmem>>) dst(%dma_wait3A_225 : memref<10240x64xf32, #tpu.memory_space<vmem_shared>>)
        %dma_wait3A_226 = arith.constant 0 : i32
        %dma_wait3A_227 = tpu.memref_slice %arg15[%dma_wait3A_226] : memref<640xf32, #tpu.memory_space<vmem>> -> memref<640xf32, #tpu.memory_space<vmem>>
        %dma_wait3A_228 = arith.constant 0 : i32
        %dma_wait3A_229 = tpu.memref_slice %arg13[%dma_wait3A_228] : memref<640xi32, #tpu.memory_space<vmem>> -> memref<640xi32, #tpu.memory_space<vmem>>
        %dma_wait3A_230 = arith.constant 0 : i32
        %dma_wait3A_231 = tpu.memref_slice %arg22[%dma_wait3A_230] : memref<10240xf32, #tpu.memory_space<vmem_shared>> -> memref<10240xf32, #tpu.memory_space<vmem_shared>>
        tpu.wait_indirect_dma semaphore(%arg25 : memref<!tpu.dma_semaphore, #tpu.memory_space<semaphore_mem>>) src(%dma_wait3A_227 : memref<640xf32, #tpu.memory_space<vmem>>) dst(%dma_wait3A_231 : memref<10240xf32, #tpu.memory_space<vmem_shared>>)
        %dma_wait3A_232 = arith.constant 0 : i32
        %dma_wait3A_233 = tpu.memref_slice %arg17[%dma_wait3A_232] : memref<640xf32, #tpu.memory_space<vmem>> -> memref<640xf32, #tpu.memory_space<vmem>>
        %dma_wait3A_234 = arith.constant 0 : i32
        %dma_wait3A_235 = tpu.memref_slice %arg13[%dma_wait3A_234] : memref<640xi32, #tpu.memory_space<vmem>> -> memref<640xi32, #tpu.memory_space<vmem>>
        %dma_wait3A_236 = arith.constant 0 : i32
        %dma_wait3A_237 = tpu.memref_slice %arg21[%dma_wait3A_236] : memref<10240xf32, #tpu.memory_space<vmem_shared>> -> memref<10240xf32, #tpu.memory_space<vmem_shared>>
        tpu.wait_indirect_dma semaphore(%arg25 : memref<!tpu.dma_semaphore, #tpu.memory_space<semaphore_mem>>) src(%dma_wait3A_233 : memref<640xf32, #tpu.memory_space<vmem>>) dst(%dma_wait3A_237 : memref<10240xf32, #tpu.memory_space<vmem_shared>>)
        %add3A_238 = arith.constant 2 : i32
        %add3A_239 = arith.addi %add3A_165, %add3A_238 : i32
        %lt3A_240 = arith.constant 31 : i32
        %lt3A_241 = arith.cmpi slt, %add3A_239, %lt3A_240 : i32
        %convert_element_type3A_242 = arith.extui %lt3A_241 : i1 to i32
        %cond3A_243 = arith.constant 0 : i32
        %cond3A_244 = arith.cmpi ne, %convert_element_type3A_242, %cond3A_243 : i32
        scf.if %cond3A_244 {
          %add3A_245 = arith.constant 2 : i32
          %add3A_246 = arith.addi %add3A_165, %add3A_245 : i32
          %eq3A_247 = arith.constant 0 : i32
          %eq3A_248 = arith.cmpi eq, %arg0, %eq3A_247 : i32
          %convert_element_type3A_249 = arith.extui %eq3A_248 : i1 to i32
          %cond3A_250 = arith.constant 0 : i32
          %cond3A_251 = arith.cmpi ne, %convert_element_type3A_249, %cond3A_250 : i32
          scf.if %cond3A_251 {
            %mul3A_257 = arith.constant 640 : i32
            %mul3A_258 = arith.muli %add3A_246, %mul3A_257 : i32
            %add3A_259 = arith.addi %mul3A_25, %mul3A_258 : i32
            %dma_start3A_260 = arith.constant 0 : i32
            %dma_start3A_261 = arith.constant 0 : i32
            %dma_start3A_262 = tpu.memref_slice %arg11[%dma_start3A_261] : memref<640xi32, #tpu.memory_space<vmem>> -> memref<640xi32, #tpu.memory_space<vmem>>
            %dma_start3A_263 = tpu.memref_slice %arg4[%dma_start3A_260, %add3A_259] : memref<2x320000xi32, #tpu.memory_space<hbm>> -> memref<1x640xi32, #tpu.memory_space<hbm>>
            %dma_start3A_264 = tpu.memref_squeeze %dma_start3A_263 : memref<1x640xi32, #tpu.memory_space<hbm>> -> memref<640xi32, #tpu.memory_space<hbm>>
            %dma_start3A_265 = arith.constant 0 : i32
            %dma_start3A_266 = tpu.memref_slice %arg11[%dma_start3A_265] : memref<640xi32, #tpu.memory_space<vmem>> -> memref<640xi32, #tpu.memory_space<vmem>>
            %dma_start3A_267 = tpu.memref_slice %arg4[%dma_start3A_260, %add3A_259] : memref<2x320000xi32, #tpu.memory_space<hbm>> -> memref<1x640xi32, #tpu.memory_space<hbm>>
            %dma_start3A_268 = tpu.memref_squeeze %dma_start3A_267 : memref<1x640xi32, #tpu.memory_space<hbm>> -> memref<640xi32, #tpu.memory_space<hbm>>
            tpu.enqueue_dma source(%dma_start3A_268 : memref<640xi32, #tpu.memory_space<hbm>>) target(%dma_start3A_266 : memref<640xi32, #tpu.memory_space<vmem>>) target_semaphore(%arg23 : memref<!tpu.dma_semaphore, #tpu.memory_space<semaphore_mem>>)
            %mul3A_269 = arith.constant 640 : i32
            %mul3A_270 = arith.muli %add3A_246, %mul3A_269 : i32
            %add3A_271 = arith.addi %mul3A_25, %mul3A_270 : i32
            %dma_start3A_272 = arith.constant 1 : i32
            %dma_start3A_273 = arith.constant 0 : i32
            %dma_start3A_274 = tpu.memref_slice %arg13[%dma_start3A_273] : memref<640xi32, #tpu.memory_space<vmem>> -> memref<640xi32, #tpu.memory_space<vmem>>
            %dma_start3A_275 = tpu.memref_slice %arg4[%dma_start3A_272, %add3A_271] : memref<2x320000xi32, #tpu.memory_space<hbm>> -> memref<1x640xi32, #tpu.memory_space<hbm>>
            %dma_start3A_276 = tpu.memref_squeeze %dma_start3A_275 : memref<1x640xi32, #tpu.memory_space<hbm>> -> memref<640xi32, #tpu.memory_space<hbm>>
            %dma_start3A_277 = arith.constant 0 : i32
            %dma_start3A_278 = tpu.memref_slice %arg13[%dma_start3A_277] : memref<640xi32, #tpu.memory_space<vmem>> -> memref<640xi32, #tpu.memory_space<vmem>>
            %dma_start3A_279 = tpu.memref_slice %arg4[%dma_start3A_272, %add3A_271] : memref<2x320000xi32, #tpu.memory_space<hbm>> -> memref<1x640xi32, #tpu.memory_space<hbm>>
            %dma_start3A_280 = tpu.memref_squeeze %dma_start3A_279 : memref<1x640xi32, #tpu.memory_space<hbm>> -> memref<640xi32, #tpu.memory_space<hbm>>
            tpu.enqueue_dma source(%dma_start3A_280 : memref<640xi32, #tpu.memory_space<hbm>>) target(%dma_start3A_278 : memref<640xi32, #tpu.memory_space<vmem>>) target_semaphore(%arg23 : memref<!tpu.dma_semaphore, #tpu.memory_space<semaphore_mem>>)
            %mul3A_281 = arith.constant 640 : i32
            %mul3A_282 = arith.muli %add3A_246, %mul3A_281 : i32
            %add3A_283 = arith.addi %mul3A_25, %mul3A_282 : i32
            %dma_start3A_284 = arith.constant 0 : i32
            %dma_start3A_285 = tpu.memref_slice %arg15[%dma_start3A_284] : memref<640xf32, #tpu.memory_space<vmem>> -> memref<640xf32, #tpu.memory_space<vmem>>
            %dma_start3A_286 = tpu.memref_slice %arg6[%add3A_283] : memref<320000xf32, #tpu.memory_space<hbm>> -> memref<640xf32, #tpu.memory_space<hbm>>
            %dma_start3A_287 = arith.constant 0 : i32
            %dma_start3A_288 = tpu.memref_slice %arg15[%dma_start3A_287] : memref<640xf32, #tpu.memory_space<vmem>> -> memref<640xf32, #tpu.memory_space<vmem>>
            %dma_start3A_289 = tpu.memref_slice %arg6[%add3A_283] : memref<320000xf32, #tpu.memory_space<hbm>> -> memref<640xf32, #tpu.memory_space<hbm>>
            tpu.enqueue_dma source(%dma_start3A_289 : memref<640xf32, #tpu.memory_space<hbm>>) target(%dma_start3A_288 : memref<640xf32, #tpu.memory_space<vmem>>) target_semaphore(%arg23 : memref<!tpu.dma_semaphore, #tpu.memory_space<semaphore_mem>>)
          } else {
          }
          %eq3A_252 = arith.constant 1 : i32
          %eq3A_253 = arith.cmpi eq, %arg0, %eq3A_252 : i32
          %convert_element_type3A_254 = arith.extui %eq3A_253 : i1 to i32
          %cond3A_255 = arith.constant 0 : i32
          %cond3A_256 = arith.cmpi ne, %convert_element_type3A_254, %cond3A_255 : i32
          scf.if %cond3A_256 {
            %mul3A_257 = arith.constant 640 : i32
            %mul3A_258 = arith.muli %add3A_246, %mul3A_257 : i32
            %add3A_259 = arith.addi %mul3A_25, %mul3A_258 : i32
            %dma_start3A_260 = arith.constant 0 : i32
            %dma_start3A_261 = arith.constant 0 : i32
            %dma_start3A_262 = tpu.memref_slice %arg11[%dma_start3A_261] : memref<640xi32, #tpu.memory_space<vmem>> -> memref<640xi32, #tpu.memory_space<vmem>>
            %dma_start3A_263 = tpu.memref_slice %arg5[%dma_start3A_260, %add3A_259] : memref<2x320000xi32, #tpu.memory_space<hbm>> -> memref<1x640xi32, #tpu.memory_space<hbm>>
            %dma_start3A_264 = tpu.memref_squeeze %dma_start3A_263 : memref<1x640xi32, #tpu.memory_space<hbm>> -> memref<640xi32, #tpu.memory_space<hbm>>
            %dma_start3A_265 = arith.constant 0 : i32
            %dma_start3A_266 = tpu.memref_slice %arg11[%dma_start3A_265] : memref<640xi32, #tpu.memory_space<vmem>> -> memref<640xi32, #tpu.memory_space<vmem>>
            %dma_start3A_267 = tpu.memref_slice %arg5[%dma_start3A_260, %add3A_259] : memref<2x320000xi32, #tpu.memory_space<hbm>> -> memref<1x640xi32, #tpu.memory_space<hbm>>
            %dma_start3A_268 = tpu.memref_squeeze %dma_start3A_267 : memref<1x640xi32, #tpu.memory_space<hbm>> -> memref<640xi32, #tpu.memory_space<hbm>>
            tpu.enqueue_dma source(%dma_start3A_268 : memref<640xi32, #tpu.memory_space<hbm>>) target(%dma_start3A_266 : memref<640xi32, #tpu.memory_space<vmem>>) target_semaphore(%arg23 : memref<!tpu.dma_semaphore, #tpu.memory_space<semaphore_mem>>)
            %mul3A_269 = arith.constant 640 : i32
            %mul3A_270 = arith.muli %add3A_246, %mul3A_269 : i32
            %add3A_271 = arith.addi %mul3A_25, %mul3A_270 : i32
            %dma_start3A_272 = arith.constant 1 : i32
            %dma_start3A_273 = arith.constant 0 : i32
            %dma_start3A_274 = tpu.memref_slice %arg13[%dma_start3A_273] : memref<640xi32, #tpu.memory_space<vmem>> -> memref<640xi32, #tpu.memory_space<vmem>>
            %dma_start3A_275 = tpu.memref_slice %arg5[%dma_start3A_272, %add3A_271] : memref<2x320000xi32, #tpu.memory_space<hbm>> -> memref<1x640xi32, #tpu.memory_space<hbm>>
            %dma_start3A_276 = tpu.memref_squeeze %dma_start3A_275 : memref<1x640xi32, #tpu.memory_space<hbm>> -> memref<640xi32, #tpu.memory_space<hbm>>
            %dma_start3A_277 = arith.constant 0 : i32
            %dma_start3A_278 = tpu.memref_slice %arg13[%dma_start3A_277] : memref<640xi32, #tpu.memory_space<vmem>> -> memref<640xi32, #tpu.memory_space<vmem>>
            %dma_start3A_279 = tpu.memref_slice %arg5[%dma_start3A_272, %add3A_271] : memref<2x320000xi32, #tpu.memory_space<hbm>> -> memref<1x640xi32, #tpu.memory_space<hbm>>
            %dma_start3A_280 = tpu.memref_squeeze %dma_start3A_279 : memref<1x640xi32, #tpu.memory_space<hbm>> -> memref<640xi32, #tpu.memory_space<hbm>>
            tpu.enqueue_dma source(%dma_start3A_280 : memref<640xi32, #tpu.memory_space<hbm>>) target(%dma_start3A_278 : memref<640xi32, #tpu.memory_space<vmem>>) target_semaphore(%arg23 : memref<!tpu.dma_semaphore, #tpu.memory_space<semaphore_mem>>)
            %mul3A_281 = arith.constant 640 : i32
            %mul3A_282 = arith.muli %add3A_246, %mul3A_281 : i32
            %add3A_283 = arith.addi %mul3A_25, %mul3A_282 : i32
            %dma_start3A_284 = arith.constant 0 : i32
            %dma_start3A_285 = tpu.memref_slice %arg15[%dma_start3A_284] : memref<640xf32, #tpu.memory_space<vmem>> -> memref<640xf32, #tpu.memory_space<vmem>>
            %dma_start3A_286 = tpu.memref_slice %arg7[%add3A_283] : memref<320000xf32, #tpu.memory_space<hbm>> -> memref<640xf32, #tpu.memory_space<hbm>>
            %dma_start3A_287 = arith.constant 0 : i32
            %dma_start3A_288 = tpu.memref_slice %arg15[%dma_start3A_287] : memref<640xf32, #tpu.memory_space<vmem>> -> memref<640xf32, #tpu.memory_space<vmem>>
            %dma_start3A_289 = tpu.memref_slice %arg7[%add3A_283] : memref<320000xf32, #tpu.memory_space<hbm>> -> memref<640xf32, #tpu.memory_space<hbm>>
            tpu.enqueue_dma source(%dma_start3A_289 : memref<640xf32, #tpu.memory_space<hbm>>) target(%dma_start3A_288 : memref<640xf32, #tpu.memory_space<vmem>>) target_semaphore(%arg23 : memref<!tpu.dma_semaphore, #tpu.memory_space<semaphore_mem>>)
          } else {
          }
        } else {
        }
      } else {
      }
      %mul3A_171 = arith.constant 2 : i32
      %mul3A_172 = arith.muli %mul3A_171, %scan3A_160 : i32
      %add3A_173 = arith.constant 1 : i32
      %add3A_174 = arith.addi %mul3A_172, %add3A_173 : i32
      %lt3A_175 = arith.constant 31 : i32
      %lt3A_176 = arith.cmpi slt, %add3A_174, %lt3A_175 : i32
      %convert_element_type3A_177 = arith.extui %lt3A_176 : i1 to i32
      %cond3A_178 = arith.constant 0 : i32
      %cond3A_179 = arith.cmpi ne, %convert_element_type3A_177, %cond3A_178 : i32
      scf.if %cond3A_179 {
        %eq3A_181 = arith.constant 0 : i32
        %eq3A_182 = arith.cmpi eq, %arg0, %eq3A_181 : i32
        %convert_element_type3A_183 = arith.extui %eq3A_182 : i1 to i32
        %cond3A_184 = arith.constant 0 : i32
        %cond3A_185 = arith.cmpi ne, %convert_element_type3A_183, %cond3A_184 : i32
        scf.if %cond3A_185 {
          %dma_wait3A_245 = arith.constant 0 : i32
          %dma_wait3A_246 = arith.constant 0 : i32
          %dma_wait3A_247 = tpu.memref_slice %arg19[%dma_wait3A_245, %dma_wait3A_246] : memref<640x64xf32, #tpu.memory_space<vmem>> -> memref<640x64xf32, #tpu.memory_space<vmem>>
          %dma_wait3A_248 = arith.constant 0 : i32
          %dma_wait3A_249 = tpu.memref_slice %arg12[%dma_wait3A_248] : memref<640xi32, #tpu.memory_space<vmem>> -> memref<640xi32, #tpu.memory_space<vmem>>
          %dma_wait3A_250 = arith.constant 0 : i32
          %dma_wait3A_251 = arith.constant 0 : i32
          %dma_wait3A_252 = tpu.memref_slice %arg2[%dma_wait3A_250, %dma_wait3A_251] : memref<10000x64xf32, #tpu.memory_space<hbm>> -> memref<10000x64xf32, #tpu.memory_space<hbm>>
          tpu.wait_indirect_dma semaphore(%arg24 : memref<!tpu.dma_semaphore, #tpu.memory_space<semaphore_mem>>) src(%dma_wait3A_252 : memref<10000x64xf32, #tpu.memory_space<hbm>>) dst(%dma_wait3A_247 : memref<640x64xf32, #tpu.memory_space<vmem>>)
        } else {
        }
        %eq3A_186 = arith.constant 1 : i32
        %eq3A_187 = arith.cmpi eq, %arg0, %eq3A_186 : i32
        %convert_element_type3A_188 = arith.extui %eq3A_187 : i1 to i32
        %cond3A_189 = arith.constant 0 : i32
        %cond3A_190 = arith.cmpi ne, %convert_element_type3A_188, %cond3A_189 : i32
        scf.if %cond3A_190 {
          %dma_wait3A_245 = arith.constant 0 : i32
          %dma_wait3A_246 = arith.constant 0 : i32
          %dma_wait3A_247 = tpu.memref_slice %arg19[%dma_wait3A_245, %dma_wait3A_246] : memref<640x64xf32, #tpu.memory_space<vmem>> -> memref<640x64xf32, #tpu.memory_space<vmem>>
          %dma_wait3A_248 = arith.constant 0 : i32
          %dma_wait3A_249 = tpu.memref_slice %arg12[%dma_wait3A_248] : memref<640xi32, #tpu.memory_space<vmem>> -> memref<640xi32, #tpu.memory_space<vmem>>
          %dma_wait3A_250 = arith.constant 0 : i32
          %dma_wait3A_251 = arith.constant 0 : i32
          %dma_wait3A_252 = tpu.memref_slice %arg3[%dma_wait3A_250, %dma_wait3A_251] : memref<10000x64xf32, #tpu.memory_space<hbm>> -> memref<10000x64xf32, #tpu.memory_space<hbm>>
          tpu.wait_indirect_dma semaphore(%arg24 : memref<!tpu.dma_semaphore, #tpu.memory_space<semaphore_mem>>) src(%dma_wait3A_252 : memref<10000x64xf32, #tpu.memory_space<hbm>>) dst(%dma_wait3A_247 : memref<640x64xf32, #tpu.memory_space<vmem>>)
        } else {
        }
        %add3A_191 = arith.constant 1 : i32
        %add3A_192 = arith.addi %add3A_174, %add3A_191 : i32
        %lt3A_193 = arith.constant 31 : i32
        %lt3A_194 = arith.cmpi slt, %add3A_192, %lt3A_193 : i32
        %convert_element_type3A_195 = arith.extui %lt3A_194 : i1 to i32
        %cond3A_196 = arith.constant 0 : i32
        %cond3A_197 = arith.cmpi ne, %convert_element_type3A_195, %cond3A_196 : i32
        scf.if %cond3A_197 {
          %add3A_245 = arith.constant 1 : i32
          %add3A_246 = arith.addi %add3A_174, %add3A_245 : i32
          %eq3A_247 = arith.constant 0 : i32
          %eq3A_248 = arith.cmpi eq, %arg0, %eq3A_247 : i32
          %convert_element_type3A_249 = arith.extui %eq3A_248 : i1 to i32
          %cond3A_250 = arith.constant 0 : i32
          %cond3A_251 = arith.cmpi ne, %convert_element_type3A_249, %cond3A_250 : i32
          scf.if %cond3A_251 {
            %mul3A_267 = arith.constant 640 : i32
            %mul3A_268 = arith.muli %add3A_246, %mul3A_267 : i32
            %add3A_269 = arith.addi %mul3A_25, %mul3A_268 : i32
            %dma_wait3A_270 = arith.constant 0 : i32
            %dma_wait3A_271 = arith.constant 0 : i32
            %dma_wait3A_272 = tpu.memref_slice %arg11[%dma_wait3A_271] : memref<640xi32, #tpu.memory_space<vmem>> -> memref<640xi32, #tpu.memory_space<vmem>>
            %dma_wait3A_273 = tpu.memref_slice %arg4[%dma_wait3A_270, %add3A_269] : memref<2x320000xi32, #tpu.memory_space<hbm>> -> memref<1x640xi32, #tpu.memory_space<hbm>>
            %dma_wait3A_274 = tpu.memref_squeeze %dma_wait3A_273 : memref<1x640xi32, #tpu.memory_space<hbm>> -> memref<640xi32, #tpu.memory_space<hbm>>
            %dma_wait3A_275 = arith.constant 0 : i32
            %dma_wait3A_276 = tpu.memref_slice %arg11[%dma_wait3A_275] : memref<640xi32, #tpu.memory_space<vmem>> -> memref<640xi32, #tpu.memory_space<vmem>>
            %dma_wait3A_277 = tpu.memref_slice %arg4[%dma_wait3A_270, %add3A_269] : memref<2x320000xi32, #tpu.memory_space<hbm>> -> memref<1x640xi32, #tpu.memory_space<hbm>>
            %dma_wait3A_278 = tpu.memref_squeeze %dma_wait3A_277 : memref<1x640xi32, #tpu.memory_space<hbm>> -> memref<640xi32, #tpu.memory_space<hbm>>
            tpu.wait_dma2 semaphore(%arg23 : memref<!tpu.dma_semaphore, #tpu.memory_space<semaphore_mem>>) src(%dma_wait3A_278 : memref<640xi32, #tpu.memory_space<hbm>>) dst(%dma_wait3A_276 : memref<640xi32, #tpu.memory_space<vmem>>)
            %mul3A_279 = arith.constant 640 : i32
            %mul3A_280 = arith.muli %add3A_246, %mul3A_279 : i32
            %add3A_281 = arith.addi %mul3A_25, %mul3A_280 : i32
            %dma_wait3A_282 = arith.constant 1 : i32
            %dma_wait3A_283 = arith.constant 0 : i32
            %dma_wait3A_284 = tpu.memref_slice %arg13[%dma_wait3A_283] : memref<640xi32, #tpu.memory_space<vmem>> -> memref<640xi32, #tpu.memory_space<vmem>>
            %dma_wait3A_285 = tpu.memref_slice %arg4[%dma_wait3A_282, %add3A_281] : memref<2x320000xi32, #tpu.memory_space<hbm>> -> memref<1x640xi32, #tpu.memory_space<hbm>>
            %dma_wait3A_286 = tpu.memref_squeeze %dma_wait3A_285 : memref<1x640xi32, #tpu.memory_space<hbm>> -> memref<640xi32, #tpu.memory_space<hbm>>
            %dma_wait3A_287 = arith.constant 0 : i32
            %dma_wait3A_288 = tpu.memref_slice %arg13[%dma_wait3A_287] : memref<640xi32, #tpu.memory_space<vmem>> -> memref<640xi32, #tpu.memory_space<vmem>>
            %dma_wait3A_289 = tpu.memref_slice %arg4[%dma_wait3A_282, %add3A_281] : memref<2x320000xi32, #tpu.memory_space<hbm>> -> memref<1x640xi32, #tpu.memory_space<hbm>>
            %dma_wait3A_290 = tpu.memref_squeeze %dma_wait3A_289 : memref<1x640xi32, #tpu.memory_space<hbm>> -> memref<640xi32, #tpu.memory_space<hbm>>
            tpu.wait_dma2 semaphore(%arg23 : memref<!tpu.dma_semaphore, #tpu.memory_space<semaphore_mem>>) src(%dma_wait3A_290 : memref<640xi32, #tpu.memory_space<hbm>>) dst(%dma_wait3A_288 : memref<640xi32, #tpu.memory_space<vmem>>)
            %mul3A_291 = arith.constant 640 : i32
            %mul3A_292 = arith.muli %add3A_246, %mul3A_291 : i32
            %add3A_293 = arith.addi %mul3A_25, %mul3A_292 : i32
            %dma_wait3A_294 = arith.constant 0 : i32
            %dma_wait3A_295 = tpu.memref_slice %arg15[%dma_wait3A_294] : memref<640xf32, #tpu.memory_space<vmem>> -> memref<640xf32, #tpu.memory_space<vmem>>
            %dma_wait3A_296 = tpu.memref_slice %arg6[%add3A_293] : memref<320000xf32, #tpu.memory_space<hbm>> -> memref<640xf32, #tpu.memory_space<hbm>>
            %dma_wait3A_297 = arith.constant 0 : i32
            %dma_wait3A_298 = tpu.memref_slice %arg15[%dma_wait3A_297] : memref<640xf32, #tpu.memory_space<vmem>> -> memref<640xf32, #tpu.memory_space<vmem>>
            %dma_wait3A_299 = tpu.memref_slice %arg6[%add3A_293] : memref<320000xf32, #tpu.memory_space<hbm>> -> memref<640xf32, #tpu.memory_space<hbm>>
            tpu.wait_dma2 semaphore(%arg23 : memref<!tpu.dma_semaphore, #tpu.memory_space<semaphore_mem>>) src(%dma_wait3A_299 : memref<640xf32, #tpu.memory_space<hbm>>) dst(%dma_wait3A_298 : memref<640xf32, #tpu.memory_space<vmem>>)
          } else {
          }
          %eq3A_252 = arith.constant 1 : i32
          %eq3A_253 = arith.cmpi eq, %arg0, %eq3A_252 : i32
          %convert_element_type3A_254 = arith.extui %eq3A_253 : i1 to i32
          %cond3A_255 = arith.constant 0 : i32
          %cond3A_256 = arith.cmpi ne, %convert_element_type3A_254, %cond3A_255 : i32
          scf.if %cond3A_256 {
            %mul3A_267 = arith.constant 640 : i32
            %mul3A_268 = arith.muli %add3A_246, %mul3A_267 : i32
            %add3A_269 = arith.addi %mul3A_25, %mul3A_268 : i32
            %dma_wait3A_270 = arith.constant 0 : i32
            %dma_wait3A_271 = arith.constant 0 : i32
            %dma_wait3A_272 = tpu.memref_slice %arg11[%dma_wait3A_271] : memref<640xi32, #tpu.memory_space<vmem>> -> memref<640xi32, #tpu.memory_space<vmem>>
            %dma_wait3A_273 = tpu.memref_slice %arg5[%dma_wait3A_270, %add3A_269] : memref<2x320000xi32, #tpu.memory_space<hbm>> -> memref<1x640xi32, #tpu.memory_space<hbm>>
            %dma_wait3A_274 = tpu.memref_squeeze %dma_wait3A_273 : memref<1x640xi32, #tpu.memory_space<hbm>> -> memref<640xi32, #tpu.memory_space<hbm>>
            %dma_wait3A_275 = arith.constant 0 : i32
            %dma_wait3A_276 = tpu.memref_slice %arg11[%dma_wait3A_275] : memref<640xi32, #tpu.memory_space<vmem>> -> memref<640xi32, #tpu.memory_space<vmem>>
            %dma_wait3A_277 = tpu.memref_slice %arg5[%dma_wait3A_270, %add3A_269] : memref<2x320000xi32, #tpu.memory_space<hbm>> -> memref<1x640xi32, #tpu.memory_space<hbm>>
            %dma_wait3A_278 = tpu.memref_squeeze %dma_wait3A_277 : memref<1x640xi32, #tpu.memory_space<hbm>> -> memref<640xi32, #tpu.memory_space<hbm>>
            tpu.wait_dma2 semaphore(%arg23 : memref<!tpu.dma_semaphore, #tpu.memory_space<semaphore_mem>>) src(%dma_wait3A_278 : memref<640xi32, #tpu.memory_space<hbm>>) dst(%dma_wait3A_276 : memref<640xi32, #tpu.memory_space<vmem>>)
            %mul3A_279 = arith.constant 640 : i32
            %mul3A_280 = arith.muli %add3A_246, %mul3A_279 : i32
            %add3A_281 = arith.addi %mul3A_25, %mul3A_280 : i32
            %dma_wait3A_282 = arith.constant 1 : i32
            %dma_wait3A_283 = arith.constant 0 : i32
            %dma_wait3A_284 = tpu.memref_slice %arg13[%dma_wait3A_283] : memref<640xi32, #tpu.memory_space<vmem>> -> memref<640xi32, #tpu.memory_space<vmem>>
            %dma_wait3A_285 = tpu.memref_slice %arg5[%dma_wait3A_282, %add3A_281] : memref<2x320000xi32, #tpu.memory_space<hbm>> -> memref<1x640xi32, #tpu.memory_space<hbm>>
            %dma_wait3A_286 = tpu.memref_squeeze %dma_wait3A_285 : memref<1x640xi32, #tpu.memory_space<hbm>> -> memref<640xi32, #tpu.memory_space<hbm>>
            %dma_wait3A_287 = arith.constant 0 : i32
            %dma_wait3A_288 = tpu.memref_slice %arg13[%dma_wait3A_287] : memref<640xi32, #tpu.memory_space<vmem>> -> memref<640xi32, #tpu.memory_space<vmem>>
            %dma_wait3A_289 = tpu.memref_slice %arg5[%dma_wait3A_282, %add3A_281] : memref<2x320000xi32, #tpu.memory_space<hbm>> -> memref<1x640xi32, #tpu.memory_space<hbm>>
            %dma_wait3A_290 = tpu.memref_squeeze %dma_wait3A_289 : memref<1x640xi32, #tpu.memory_space<hbm>> -> memref<640xi32, #tpu.memory_space<hbm>>
            tpu.wait_dma2 semaphore(%arg23 : memref<!tpu.dma_semaphore, #tpu.memory_space<semaphore_mem>>) src(%dma_wait3A_290 : memref<640xi32, #tpu.memory_space<hbm>>) dst(%dma_wait3A_288 : memref<640xi32, #tpu.memory_space<vmem>>)
            %mul3A_291 = arith.constant 640 : i32
            %mul3A_292 = arith.muli %add3A_246, %mul3A_291 : i32
            %add3A_293 = arith.addi %mul3A_25, %mul3A_292 : i32
            %dma_wait3A_294 = arith.constant 0 : i32
            %dma_wait3A_295 = tpu.memref_slice %arg15[%dma_wait3A_294] : memref<640xf32, #tpu.memory_space<vmem>> -> memref<640xf32, #tpu.memory_space<vmem>>
            %dma_wait3A_296 = tpu.memref_slice %arg7[%add3A_293] : memref<320000xf32, #tpu.memory_space<hbm>> -> memref<640xf32, #tpu.memory_space<hbm>>
            %dma_wait3A_297 = arith.constant 0 : i32
            %dma_wait3A_298 = tpu.memref_slice %arg15[%dma_wait3A_297] : memref<640xf32, #tpu.memory_space<vmem>> -> memref<640xf32, #tpu.memory_space<vmem>>
            %dma_wait3A_299 = tpu.memref_slice %arg7[%add3A_293] : memref<320000xf32, #tpu.memory_space<hbm>> -> memref<640xf32, #tpu.memory_space<hbm>>
            tpu.wait_dma2 semaphore(%arg23 : memref<!tpu.dma_semaphore, #tpu.memory_space<semaphore_mem>>) src(%dma_wait3A_299 : memref<640xf32, #tpu.memory_space<hbm>>) dst(%dma_wait3A_298 : memref<640xf32, #tpu.memory_space<vmem>>)
          } else {
          }
          %eq3A_257 = arith.constant 0 : i32
          %eq3A_258 = arith.cmpi eq, %arg0, %eq3A_257 : i32
          %convert_element_type3A_259 = arith.extui %eq3A_258 : i1 to i32
          %cond3A_260 = arith.constant 0 : i32
          %cond3A_261 = arith.cmpi ne, %convert_element_type3A_259, %cond3A_260 : i32
          scf.if %cond3A_261 {
            %dma_start3A_267 = arith.constant 0 : i32
            %dma_start3A_268 = arith.constant 0 : i32
            %dma_start3A_269 = tpu.memref_slice %arg18[%dma_start3A_267, %dma_start3A_268] : memref<640x64xf32, #tpu.memory_space<vmem>> -> memref<640x64xf32, #tpu.memory_space<vmem>>
            %dma_start3A_270 = arith.constant 0 : i32
            %dma_start3A_271 = tpu.memref_slice %arg11[%dma_start3A_270] : memref<640xi32, #tpu.memory_space<vmem>> -> memref<640xi32, #tpu.memory_space<vmem>>
            %dma_start3A_272 = arith.constant 0 : i32
            %dma_start3A_273 = arith.constant 0 : i32
            %dma_start3A_274 = tpu.memref_slice %arg2[%dma_start3A_272, %dma_start3A_273] : memref<10000x64xf32, #tpu.memory_space<hbm>> -> memref<10000x64xf32, #tpu.memory_space<hbm>>
            tpu.enqueue_indirect_dma source(%dma_start3A_274 : memref<10000x64xf32, #tpu.memory_space<hbm>>) target(%dma_start3A_269 : memref<640x64xf32, #tpu.memory_space<vmem>>) offsets(%dma_start3A_271 : memref<640xi32, #tpu.memory_space<vmem>>) semaphore(%arg24 : memref<!tpu.dma_semaphore, #tpu.memory_space<semaphore_mem>>)
          } else {
          }
          %eq3A_262 = arith.constant 1 : i32
          %eq3A_263 = arith.cmpi eq, %arg0, %eq3A_262 : i32
          %convert_element_type3A_264 = arith.extui %eq3A_263 : i1 to i32
          %cond3A_265 = arith.constant 0 : i32
          %cond3A_266 = arith.cmpi ne, %convert_element_type3A_264, %cond3A_265 : i32
          scf.if %cond3A_266 {
            %dma_start3A_267 = arith.constant 0 : i32
            %dma_start3A_268 = arith.constant 0 : i32
            %dma_start3A_269 = tpu.memref_slice %arg18[%dma_start3A_267, %dma_start3A_268] : memref<640x64xf32, #tpu.memory_space<vmem>> -> memref<640x64xf32, #tpu.memory_space<vmem>>
            %dma_start3A_270 = arith.constant 0 : i32
            %dma_start3A_271 = tpu.memref_slice %arg11[%dma_start3A_270] : memref<640xi32, #tpu.memory_space<vmem>> -> memref<640xi32, #tpu.memory_space<vmem>>
            %dma_start3A_272 = arith.constant 0 : i32
            %dma_start3A_273 = arith.constant 0 : i32
            %dma_start3A_274 = tpu.memref_slice %arg3[%dma_start3A_272, %dma_start3A_273] : memref<10000x64xf32, #tpu.memory_space<hbm>> -> memref<10000x64xf32, #tpu.memory_space<hbm>>
            tpu.enqueue_indirect_dma source(%dma_start3A_274 : memref<10000x64xf32, #tpu.memory_space<hbm>>) target(%dma_start3A_269 : memref<640x64xf32, #tpu.memory_space<vmem>>) offsets(%dma_start3A_271 : memref<640xi32, #tpu.memory_space<vmem>>) semaphore(%arg24 : memref<!tpu.dma_semaphore, #tpu.memory_space<semaphore_mem>>)
          } else {
          }
        } else {
        }
        %dma_start3A_198 = arith.constant 0 : i32
        %dma_start3A_199 = arith.constant 0 : i32
        %dma_start3A_200 = tpu.memref_slice %arg19[%dma_start3A_198, %dma_start3A_199] : memref<640x64xf32, #tpu.memory_space<vmem>> -> memref<640x64xf32, #tpu.memory_space<vmem>>
        %dma_start3A_201 = arith.constant 0 : i32
        %dma_start3A_202 = tpu.memref_slice %arg14[%dma_start3A_201] : memref<640xi32, #tpu.memory_space<vmem>> -> memref<640xi32, #tpu.memory_space<vmem>>
        %dma_start3A_203 = arith.constant 0 : i32
        %dma_start3A_204 = arith.constant 0 : i32
        %dma_start3A_205 = tpu.memref_slice %arg20[%dma_start3A_203, %dma_start3A_204] : memref<10240x64xf32, #tpu.memory_space<vmem_shared>> -> memref<10240x64xf32, #tpu.memory_space<vmem_shared>>
        tpu.enqueue_indirect_dma source(%dma_start3A_200 : memref<640x64xf32, #tpu.memory_space<vmem>>) target(%dma_start3A_205 : memref<10240x64xf32, #tpu.memory_space<vmem_shared>>) offsets(%dma_start3A_202 : memref<640xi32, #tpu.memory_space<vmem>>) semaphore(%arg25 : memref<!tpu.dma_semaphore, #tpu.memory_space<semaphore_mem>>) {add = true}
        %dma_start3A_206 = arith.constant 0 : i32
        %dma_start3A_207 = tpu.memref_slice %arg16[%dma_start3A_206] : memref<640xf32, #tpu.memory_space<vmem>> -> memref<640xf32, #tpu.memory_space<vmem>>
        %dma_start3A_208 = arith.constant 0 : i32
        %dma_start3A_209 = tpu.memref_slice %arg14[%dma_start3A_208] : memref<640xi32, #tpu.memory_space<vmem>> -> memref<640xi32, #tpu.memory_space<vmem>>
        %dma_start3A_210 = arith.constant 0 : i32
        %dma_start3A_211 = tpu.memref_slice %arg22[%dma_start3A_210] : memref<10240xf32, #tpu.memory_space<vmem_shared>> -> memref<10240xf32, #tpu.memory_space<vmem_shared>>
        tpu.enqueue_indirect_dma source(%dma_start3A_207 : memref<640xf32, #tpu.memory_space<vmem>>) target(%dma_start3A_211 : memref<10240xf32, #tpu.memory_space<vmem_shared>>) offsets(%dma_start3A_209 : memref<640xi32, #tpu.memory_space<vmem>>) semaphore(%arg25 : memref<!tpu.dma_semaphore, #tpu.memory_space<semaphore_mem>>) {add = true}
        %dma_start3A_212 = arith.constant 0 : i32
        %dma_start3A_213 = tpu.memref_slice %arg17[%dma_start3A_212] : memref<640xf32, #tpu.memory_space<vmem>> -> memref<640xf32, #tpu.memory_space<vmem>>
        %dma_start3A_214 = arith.constant 0 : i32
        %dma_start3A_215 = tpu.memref_slice %arg14[%dma_start3A_214] : memref<640xi32, #tpu.memory_space<vmem>> -> memref<640xi32, #tpu.memory_space<vmem>>
        %dma_start3A_216 = arith.constant 0 : i32
        %dma_start3A_217 = tpu.memref_slice %arg21[%dma_start3A_216] : memref<10240xf32, #tpu.memory_space<vmem_shared>> -> memref<10240xf32, #tpu.memory_space<vmem_shared>>
        tpu.enqueue_indirect_dma source(%dma_start3A_213 : memref<640xf32, #tpu.memory_space<vmem>>) target(%dma_start3A_217 : memref<10240xf32, #tpu.memory_space<vmem_shared>>) offsets(%dma_start3A_215 : memref<640xi32, #tpu.memory_space<vmem>>) semaphore(%arg25 : memref<!tpu.dma_semaphore, #tpu.memory_space<semaphore_mem>>) {add = true}
        %dma_wait3A_218 = arith.constant 0 : i32
        %dma_wait3A_219 = arith.constant 0 : i32
        %dma_wait3A_220 = tpu.memref_slice %arg19[%dma_wait3A_218, %dma_wait3A_219] : memref<640x64xf32, #tpu.memory_space<vmem>> -> memref<640x64xf32, #tpu.memory_space<vmem>>
        %dma_wait3A_221 = arith.constant 0 : i32
        %dma_wait3A_222 = tpu.memref_slice %arg14[%dma_wait3A_221] : memref<640xi32, #tpu.memory_space<vmem>> -> memref<640xi32, #tpu.memory_space<vmem>>
        %dma_wait3A_223 = arith.constant 0 : i32
        %dma_wait3A_224 = arith.constant 0 : i32
        %dma_wait3A_225 = tpu.memref_slice %arg20[%dma_wait3A_223, %dma_wait3A_224] : memref<10240x64xf32, #tpu.memory_space<vmem_shared>> -> memref<10240x64xf32, #tpu.memory_space<vmem_shared>>
        tpu.wait_indirect_dma semaphore(%arg25 : memref<!tpu.dma_semaphore, #tpu.memory_space<semaphore_mem>>) src(%dma_wait3A_220 : memref<640x64xf32, #tpu.memory_space<vmem>>) dst(%dma_wait3A_225 : memref<10240x64xf32, #tpu.memory_space<vmem_shared>>)
        %dma_wait3A_226 = arith.constant 0 : i32
        %dma_wait3A_227 = tpu.memref_slice %arg16[%dma_wait3A_226] : memref<640xf32, #tpu.memory_space<vmem>> -> memref<640xf32, #tpu.memory_space<vmem>>
        %dma_wait3A_228 = arith.constant 0 : i32
        %dma_wait3A_229 = tpu.memref_slice %arg14[%dma_wait3A_228] : memref<640xi32, #tpu.memory_space<vmem>> -> memref<640xi32, #tpu.memory_space<vmem>>
        %dma_wait3A_230 = arith.constant 0 : i32
        %dma_wait3A_231 = tpu.memref_slice %arg22[%dma_wait3A_230] : memref<10240xf32, #tpu.memory_space<vmem_shared>> -> memref<10240xf32, #tpu.memory_space<vmem_shared>>
        tpu.wait_indirect_dma semaphore(%arg25 : memref<!tpu.dma_semaphore, #tpu.memory_space<semaphore_mem>>) src(%dma_wait3A_227 : memref<640xf32, #tpu.memory_space<vmem>>) dst(%dma_wait3A_231 : memref<10240xf32, #tpu.memory_space<vmem_shared>>)
        %dma_wait3A_232 = arith.constant 0 : i32
        %dma_wait3A_233 = tpu.memref_slice %arg17[%dma_wait3A_232] : memref<640xf32, #tpu.memory_space<vmem>> -> memref<640xf32, #tpu.memory_space<vmem>>
        %dma_wait3A_234 = arith.constant 0 : i32
        %dma_wait3A_235 = tpu.memref_slice %arg14[%dma_wait3A_234] : memref<640xi32, #tpu.memory_space<vmem>> -> memref<640xi32, #tpu.memory_space<vmem>>
        %dma_wait3A_236 = arith.constant 0 : i32
        %dma_wait3A_237 = tpu.memref_slice %arg21[%dma_wait3A_236] : memref<10240xf32, #tpu.memory_space<vmem_shared>> -> memref<10240xf32, #tpu.memory_space<vmem_shared>>
        tpu.wait_indirect_dma semaphore(%arg25 : memref<!tpu.dma_semaphore, #tpu.memory_space<semaphore_mem>>) src(%dma_wait3A_233 : memref<640xf32, #tpu.memory_space<vmem>>) dst(%dma_wait3A_237 : memref<10240xf32, #tpu.memory_space<vmem_shared>>)
        %add3A_238 = arith.constant 2 : i32
        %add3A_239 = arith.addi %add3A_174, %add3A_238 : i32
        %lt3A_240 = arith.constant 31 : i32
        %lt3A_241 = arith.cmpi slt, %add3A_239, %lt3A_240 : i32
        %convert_element_type3A_242 = arith.extui %lt3A_241 : i1 to i32
        %cond3A_243 = arith.constant 0 : i32
        %cond3A_244 = arith.cmpi ne, %convert_element_type3A_242, %cond3A_243 : i32
        scf.if %cond3A_244 {
          %add3A_245 = arith.constant 2 : i32
          %add3A_246 = arith.addi %add3A_174, %add3A_245 : i32
          %eq3A_247 = arith.constant 0 : i32
          %eq3A_248 = arith.cmpi eq, %arg0, %eq3A_247 : i32
          %convert_element_type3A_249 = arith.extui %eq3A_248 : i1 to i32
          %cond3A_250 = arith.constant 0 : i32
          %cond3A_251 = arith.cmpi ne, %convert_element_type3A_249, %cond3A_250 : i32
          scf.if %cond3A_251 {
            %mul3A_257 = arith.constant 640 : i32
            %mul3A_258 = arith.muli %add3A_246, %mul3A_257 : i32
            %add3A_259 = arith.addi %mul3A_25, %mul3A_258 : i32
            %dma_start3A_260 = arith.constant 0 : i32
            %dma_start3A_261 = arith.constant 0 : i32
            %dma_start3A_262 = tpu.memref_slice %arg12[%dma_start3A_261] : memref<640xi32, #tpu.memory_space<vmem>> -> memref<640xi32, #tpu.memory_space<vmem>>
            %dma_start3A_263 = tpu.memref_slice %arg4[%dma_start3A_260, %add3A_259] : memref<2x320000xi32, #tpu.memory_space<hbm>> -> memref<1x640xi32, #tpu.memory_space<hbm>>
            %dma_start3A_264 = tpu.memref_squeeze %dma_start3A_263 : memref<1x640xi32, #tpu.memory_space<hbm>> -> memref<640xi32, #tpu.memory_space<hbm>>
            %dma_start3A_265 = arith.constant 0 : i32
            %dma_start3A_266 = tpu.memref_slice %arg12[%dma_start3A_265] : memref<640xi32, #tpu.memory_space<vmem>> -> memref<640xi32, #tpu.memory_space<vmem>>
            %dma_start3A_267 = tpu.memref_slice %arg4[%dma_start3A_260, %add3A_259] : memref<2x320000xi32, #tpu.memory_space<hbm>> -> memref<1x640xi32, #tpu.memory_space<hbm>>
            %dma_start3A_268 = tpu.memref_squeeze %dma_start3A_267 : memref<1x640xi32, #tpu.memory_space<hbm>> -> memref<640xi32, #tpu.memory_space<hbm>>
            tpu.enqueue_dma source(%dma_start3A_268 : memref<640xi32, #tpu.memory_space<hbm>>) target(%dma_start3A_266 : memref<640xi32, #tpu.memory_space<vmem>>) target_semaphore(%arg23 : memref<!tpu.dma_semaphore, #tpu.memory_space<semaphore_mem>>)
            %mul3A_269 = arith.constant 640 : i32
            %mul3A_270 = arith.muli %add3A_246, %mul3A_269 : i32
            %add3A_271 = arith.addi %mul3A_25, %mul3A_270 : i32
            %dma_start3A_272 = arith.constant 1 : i32
            %dma_start3A_273 = arith.constant 0 : i32
            %dma_start3A_274 = tpu.memref_slice %arg14[%dma_start3A_273] : memref<640xi32, #tpu.memory_space<vmem>> -> memref<640xi32, #tpu.memory_space<vmem>>
            %dma_start3A_275 = tpu.memref_slice %arg4[%dma_start3A_272, %add3A_271] : memref<2x320000xi32, #tpu.memory_space<hbm>> -> memref<1x640xi32, #tpu.memory_space<hbm>>
            %dma_start3A_276 = tpu.memref_squeeze %dma_start3A_275 : memref<1x640xi32, #tpu.memory_space<hbm>> -> memref<640xi32, #tpu.memory_space<hbm>>
            %dma_start3A_277 = arith.constant 0 : i32
            %dma_start3A_278 = tpu.memref_slice %arg14[%dma_start3A_277] : memref<640xi32, #tpu.memory_space<vmem>> -> memref<640xi32, #tpu.memory_space<vmem>>
            %dma_start3A_279 = tpu.memref_slice %arg4[%dma_start3A_272, %add3A_271] : memref<2x320000xi32, #tpu.memory_space<hbm>> -> memref<1x640xi32, #tpu.memory_space<hbm>>
            %dma_start3A_280 = tpu.memref_squeeze %dma_start3A_279 : memref<1x640xi32, #tpu.memory_space<hbm>> -> memref<640xi32, #tpu.memory_space<hbm>>
            tpu.enqueue_dma source(%dma_start3A_280 : memref<640xi32, #tpu.memory_space<hbm>>) target(%dma_start3A_278 : memref<640xi32, #tpu.memory_space<vmem>>) target_semaphore(%arg23 : memref<!tpu.dma_semaphore, #tpu.memory_space<semaphore_mem>>)
            %mul3A_281 = arith.constant 640 : i32
            %mul3A_282 = arith.muli %add3A_246, %mul3A_281 : i32
            %add3A_283 = arith.addi %mul3A_25, %mul3A_282 : i32
            %dma_start3A_284 = arith.constant 0 : i32
            %dma_start3A_285 = tpu.memref_slice %arg16[%dma_start3A_284] : memref<640xf32, #tpu.memory_space<vmem>> -> memref<640xf32, #tpu.memory_space<vmem>>
            %dma_start3A_286 = tpu.memref_slice %arg6[%add3A_283] : memref<320000xf32, #tpu.memory_space<hbm>> -> memref<640xf32, #tpu.memory_space<hbm>>
            %dma_start3A_287 = arith.constant 0 : i32
            %dma_start3A_288 = tpu.memref_slice %arg16[%dma_start3A_287] : memref<640xf32, #tpu.memory_space<vmem>> -> memref<640xf32, #tpu.memory_space<vmem>>
            %dma_start3A_289 = tpu.memref_slice %arg6[%add3A_283] : memref<320000xf32, #tpu.memory_space<hbm>> -> memref<640xf32, #tpu.memory_space<hbm>>
            tpu.enqueue_dma source(%dma_start3A_289 : memref<640xf32, #tpu.memory_space<hbm>>) target(%dma_start3A_288 : memref<640xf32, #tpu.memory_space<vmem>>) target_semaphore(%arg23 : memref<!tpu.dma_semaphore, #tpu.memory_space<semaphore_mem>>)
          } else {
          }
          %eq3A_252 = arith.constant 1 : i32
          %eq3A_253 = arith.cmpi eq, %arg0, %eq3A_252 : i32
          %convert_element_type3A_254 = arith.extui %eq3A_253 : i1 to i32
          %cond3A_255 = arith.constant 0 : i32
          %cond3A_256 = arith.cmpi ne, %convert_element_type3A_254, %cond3A_255 : i32
          scf.if %cond3A_256 {
            %mul3A_257 = arith.constant 640 : i32
            %mul3A_258 = arith.muli %add3A_246, %mul3A_257 : i32
            %add3A_259 = arith.addi %mul3A_25, %mul3A_258 : i32
            %dma_start3A_260 = arith.constant 0 : i32
            %dma_start3A_261 = arith.constant 0 : i32
            %dma_start3A_262 = tpu.memref_slice %arg12[%dma_start3A_261] : memref<640xi32, #tpu.memory_space<vmem>> -> memref<640xi32, #tpu.memory_space<vmem>>
            %dma_start3A_263 = tpu.memref_slice %arg5[%dma_start3A_260, %add3A_259] : memref<2x320000xi32, #tpu.memory_space<hbm>> -> memref<1x640xi32, #tpu.memory_space<hbm>>
            %dma_start3A_264 = tpu.memref_squeeze %dma_start3A_263 : memref<1x640xi32, #tpu.memory_space<hbm>> -> memref<640xi32, #tpu.memory_space<hbm>>
            %dma_start3A_265 = arith.constant 0 : i32
            %dma_start3A_266 = tpu.memref_slice %arg12[%dma_start3A_265] : memref<640xi32, #tpu.memory_space<vmem>> -> memref<640xi32, #tpu.memory_space<vmem>>
            %dma_start3A_267 = tpu.memref_slice %arg5[%dma_start3A_260, %add3A_259] : memref<2x320000xi32, #tpu.memory_space<hbm>> -> memref<1x640xi32, #tpu.memory_space<hbm>>
            %dma_start3A_268 = tpu.memref_squeeze %dma_start3A_267 : memref<1x640xi32, #tpu.memory_space<hbm>> -> memref<640xi32, #tpu.memory_space<hbm>>
            tpu.enqueue_dma source(%dma_start3A_268 : memref<640xi32, #tpu.memory_space<hbm>>) target(%dma_start3A_266 : memref<640xi32, #tpu.memory_space<vmem>>) target_semaphore(%arg23 : memref<!tpu.dma_semaphore, #tpu.memory_space<semaphore_mem>>)
            %mul3A_269 = arith.constant 640 : i32
            %mul3A_270 = arith.muli %add3A_246, %mul3A_269 : i32
            %add3A_271 = arith.addi %mul3A_25, %mul3A_270 : i32
            %dma_start3A_272 = arith.constant 1 : i32
            %dma_start3A_273 = arith.constant 0 : i32
            %dma_start3A_274 = tpu.memref_slice %arg14[%dma_start3A_273] : memref<640xi32, #tpu.memory_space<vmem>> -> memref<640xi32, #tpu.memory_space<vmem>>
            %dma_start3A_275 = tpu.memref_slice %arg5[%dma_start3A_272, %add3A_271] : memref<2x320000xi32, #tpu.memory_space<hbm>> -> memref<1x640xi32, #tpu.memory_space<hbm>>
            %dma_start3A_276 = tpu.memref_squeeze %dma_start3A_275 : memref<1x640xi32, #tpu.memory_space<hbm>> -> memref<640xi32, #tpu.memory_space<hbm>>
            %dma_start3A_277 = arith.constant 0 : i32
            %dma_start3A_278 = tpu.memref_slice %arg14[%dma_start3A_277] : memref<640xi32, #tpu.memory_space<vmem>> -> memref<640xi32, #tpu.memory_space<vmem>>
            %dma_start3A_279 = tpu.memref_slice %arg5[%dma_start3A_272, %add3A_271] : memref<2x320000xi32, #tpu.memory_space<hbm>> -> memref<1x640xi32, #tpu.memory_space<hbm>>
            %dma_start3A_280 = tpu.memref_squeeze %dma_start3A_279 : memref<1x640xi32, #tpu.memory_space<hbm>> -> memref<640xi32, #tpu.memory_space<hbm>>
            tpu.enqueue_dma source(%dma_start3A_280 : memref<640xi32, #tpu.memory_space<hbm>>) target(%dma_start3A_278 : memref<640xi32, #tpu.memory_space<vmem>>) target_semaphore(%arg23 : memref<!tpu.dma_semaphore, #tpu.memory_space<semaphore_mem>>)
            %mul3A_281 = arith.constant 640 : i32
            %mul3A_282 = arith.muli %add3A_246, %mul3A_281 : i32
            %add3A_283 = arith.addi %mul3A_25, %mul3A_282 : i32
            %dma_start3A_284 = arith.constant 0 : i32
            %dma_start3A_285 = tpu.memref_slice %arg16[%dma_start3A_284] : memref<640xf32, #tpu.memory_space<vmem>> -> memref<640xf32, #tpu.memory_space<vmem>>
            %dma_start3A_286 = tpu.memref_slice %arg7[%add3A_283] : memref<320000xf32, #tpu.memory_space<hbm>> -> memref<640xf32, #tpu.memory_space<hbm>>
            %dma_start3A_287 = arith.constant 0 : i32
            %dma_start3A_288 = tpu.memref_slice %arg16[%dma_start3A_287] : memref<640xf32, #tpu.memory_space<vmem>> -> memref<640xf32, #tpu.memory_space<vmem>>
            %dma_start3A_289 = tpu.memref_slice %arg7[%add3A_283] : memref<320000xf32, #tpu.memory_space<hbm>> -> memref<640xf32, #tpu.memory_space<hbm>>
            tpu.enqueue_dma source(%dma_start3A_289 : memref<640xf32, #tpu.memory_space<hbm>>) target(%dma_start3A_288 : memref<640xf32, #tpu.memory_space<vmem>>) target_semaphore(%arg23 : memref<!tpu.dma_semaphore, #tpu.memory_space<semaphore_mem>>)
          } else {
          }
        } else {
        }
      } else {
      }
      %scan3A_180 = arith.constant 0 : i32
      scf.yield %scan3A_180 : i32
    }
    %scan3A_69 = arith.constant 16 : i32
    %eq3A_70 = arith.constant 0 : i32
    %eq3A_71 = arith.cmpi eq, %arg0, %eq3A_70 : i32
    %convert_element_type3A_72 = arith.extui %eq3A_71 : i1 to i32
    %cond3A_73 = arith.constant 0 : i32
    %cond3A_74 = arith.cmpi ne, %convert_element_type3A_72, %cond3A_73 : i32
    scf.if %cond3A_74 {
      %add3A_160 = arith.constant 19840 : i32
      %add3A_161 = arith.addi %mul3A_25, %add3A_160 : i32
      %dma_start3A_162 = arith.constant 0 : i32
      %dma_start3A_163 = arith.constant 0 : i32
      %dma_start3A_164 = tpu.memref_slice %arg11[%dma_start3A_163] : memref<640xi32, #tpu.memory_space<vmem>> -> memref<160xi32, #tpu.memory_space<vmem>>
      %dma_start3A_165 = tpu.memref_slice %arg4[%dma_start3A_162, %add3A_161] : memref<2x320000xi32, #tpu.memory_space<hbm>> -> memref<1x160xi32, #tpu.memory_space<hbm>>
      %dma_start3A_166 = tpu.memref_squeeze %dma_start3A_165 : memref<1x160xi32, #tpu.memory_space<hbm>> -> memref<160xi32, #tpu.memory_space<hbm>>
      %dma_start3A_167 = arith.constant 0 : i32
      %dma_start3A_168 = tpu.memref_slice %arg11[%dma_start3A_167] : memref<640xi32, #tpu.memory_space<vmem>> -> memref<160xi32, #tpu.memory_space<vmem>>
      %dma_start3A_169 = tpu.memref_slice %arg4[%dma_start3A_162, %add3A_161] : memref<2x320000xi32, #tpu.memory_space<hbm>> -> memref<1x160xi32, #tpu.memory_space<hbm>>
      %dma_start3A_170 = tpu.memref_squeeze %dma_start3A_169 : memref<1x160xi32, #tpu.memory_space<hbm>> -> memref<160xi32, #tpu.memory_space<hbm>>
      tpu.enqueue_dma source(%dma_start3A_170 : memref<160xi32, #tpu.memory_space<hbm>>) target(%dma_start3A_168 : memref<160xi32, #tpu.memory_space<vmem>>) target_semaphore(%arg23 : memref<!tpu.dma_semaphore, #tpu.memory_space<semaphore_mem>>)
      %add3A_171 = arith.constant 19840 : i32
      %add3A_172 = arith.addi %mul3A_25, %add3A_171 : i32
      %dma_start3A_173 = arith.constant 1 : i32
      %dma_start3A_174 = arith.constant 0 : i32
      %dma_start3A_175 = tpu.memref_slice %arg13[%dma_start3A_174] : memref<640xi32, #tpu.memory_space<vmem>> -> memref<160xi32, #tpu.memory_space<vmem>>
      %dma_start3A_176 = tpu.memref_slice %arg4[%dma_start3A_173, %add3A_172] : memref<2x320000xi32, #tpu.memory_space<hbm>> -> memref<1x160xi32, #tpu.memory_space<hbm>>
      %dma_start3A_177 = tpu.memref_squeeze %dma_start3A_176 : memref<1x160xi32, #tpu.memory_space<hbm>> -> memref<160xi32, #tpu.memory_space<hbm>>
      %dma_start3A_178 = arith.constant 0 : i32
      %dma_start3A_179 = tpu.memref_slice %arg13[%dma_start3A_178] : memref<640xi32, #tpu.memory_space<vmem>> -> memref<160xi32, #tpu.memory_space<vmem>>
      %dma_start3A_180 = tpu.memref_slice %arg4[%dma_start3A_173, %add3A_172] : memref<2x320000xi32, #tpu.memory_space<hbm>> -> memref<1x160xi32, #tpu.memory_space<hbm>>
      %dma_start3A_181 = tpu.memref_squeeze %dma_start3A_180 : memref<1x160xi32, #tpu.memory_space<hbm>> -> memref<160xi32, #tpu.memory_space<hbm>>
      tpu.enqueue_dma source(%dma_start3A_181 : memref<160xi32, #tpu.memory_space<hbm>>) target(%dma_start3A_179 : memref<160xi32, #tpu.memory_space<vmem>>) target_semaphore(%arg23 : memref<!tpu.dma_semaphore, #tpu.memory_space<semaphore_mem>>)
      %add3A_182 = arith.constant 19840 : i32
      %add3A_183 = arith.addi %mul3A_25, %add3A_182 : i32
      %dma_start3A_184 = arith.constant 0 : i32
      %dma_start3A_185 = tpu.memref_slice %arg15[%dma_start3A_184] : memref<640xf32, #tpu.memory_space<vmem>> -> memref<160xf32, #tpu.memory_space<vmem>>
      %dma_start3A_186 = tpu.memref_slice %arg6[%add3A_183] : memref<320000xf32, #tpu.memory_space<hbm>> -> memref<160xf32, #tpu.memory_space<hbm>>
      %dma_start3A_187 = arith.constant 0 : i32
      %dma_start3A_188 = tpu.memref_slice %arg15[%dma_start3A_187] : memref<640xf32, #tpu.memory_space<vmem>> -> memref<160xf32, #tpu.memory_space<vmem>>
      %dma_start3A_189 = tpu.memref_slice %arg6[%add3A_183] : memref<320000xf32, #tpu.memory_space<hbm>> -> memref<160xf32, #tpu.memory_space<hbm>>
      tpu.enqueue_dma source(%dma_start3A_189 : memref<160xf32, #tpu.memory_space<hbm>>) target(%dma_start3A_188 : memref<160xf32, #tpu.memory_space<vmem>>) target_semaphore(%arg23 : memref<!tpu.dma_semaphore, #tpu.memory_space<semaphore_mem>>)
    } else {
    }
    %eq3A_75 = arith.constant 1 : i32
    %eq3A_76 = arith.cmpi eq, %arg0, %eq3A_75 : i32
    %convert_element_type3A_77 = arith.extui %eq3A_76 : i1 to i32
    %cond3A_78 = arith.constant 0 : i32
    %cond3A_79 = arith.cmpi ne, %convert_element_type3A_77, %cond3A_78 : i32
    scf.if %cond3A_79 {
      %add3A_160 = arith.constant 19840 : i32
      %add3A_161 = arith.addi %mul3A_25, %add3A_160 : i32
      %dma_start3A_162 = arith.constant 0 : i32
      %dma_start3A_163 = arith.constant 0 : i32
      %dma_start3A_164 = tpu.memref_slice %arg11[%dma_start3A_163] : memref<640xi32, #tpu.memory_space<vmem>> -> memref<160xi32, #tpu.memory_space<vmem>>
      %dma_start3A_165 = tpu.memref_slice %arg5[%dma_start3A_162, %add3A_161] : memref<2x320000xi32, #tpu.memory_space<hbm>> -> memref<1x160xi32, #tpu.memory_space<hbm>>
      %dma_start3A_166 = tpu.memref_squeeze %dma_start3A_165 : memref<1x160xi32, #tpu.memory_space<hbm>> -> memref<160xi32, #tpu.memory_space<hbm>>
      %dma_start3A_167 = arith.constant 0 : i32
      %dma_start3A_168 = tpu.memref_slice %arg11[%dma_start3A_167] : memref<640xi32, #tpu.memory_space<vmem>> -> memref<160xi32, #tpu.memory_space<vmem>>
      %dma_start3A_169 = tpu.memref_slice %arg5[%dma_start3A_162, %add3A_161] : memref<2x320000xi32, #tpu.memory_space<hbm>> -> memref<1x160xi32, #tpu.memory_space<hbm>>
      %dma_start3A_170 = tpu.memref_squeeze %dma_start3A_169 : memref<1x160xi32, #tpu.memory_space<hbm>> -> memref<160xi32, #tpu.memory_space<hbm>>
      tpu.enqueue_dma source(%dma_start3A_170 : memref<160xi32, #tpu.memory_space<hbm>>) target(%dma_start3A_168 : memref<160xi32, #tpu.memory_space<vmem>>) target_semaphore(%arg23 : memref<!tpu.dma_semaphore, #tpu.memory_space<semaphore_mem>>)
      %add3A_171 = arith.constant 19840 : i32
      %add3A_172 = arith.addi %mul3A_25, %add3A_171 : i32
      %dma_start3A_173 = arith.constant 1 : i32
      %dma_start3A_174 = arith.constant 0 : i32
      %dma_start3A_175 = tpu.memref_slice %arg13[%dma_start3A_174] : memref<640xi32, #tpu.memory_space<vmem>> -> memref<160xi32, #tpu.memory_space<vmem>>
      %dma_start3A_176 = tpu.memref_slice %arg5[%dma_start3A_173, %add3A_172] : memref<2x320000xi32, #tpu.memory_space<hbm>> -> memref<1x160xi32, #tpu.memory_space<hbm>>
      %dma_start3A_177 = tpu.memref_squeeze %dma_start3A_176 : memref<1x160xi32, #tpu.memory_space<hbm>> -> memref<160xi32, #tpu.memory_space<hbm>>
      %dma_start3A_178 = arith.constant 0 : i32
      %dma_start3A_179 = tpu.memref_slice %arg13[%dma_start3A_178] : memref<640xi32, #tpu.memory_space<vmem>> -> memref<160xi32, #tpu.memory_space<vmem>>
      %dma_start3A_180 = tpu.memref_slice %arg5[%dma_start3A_173, %add3A_172] : memref<2x320000xi32, #tpu.memory_space<hbm>> -> memref<1x160xi32, #tpu.memory_space<hbm>>
      %dma_start3A_181 = tpu.memref_squeeze %dma_start3A_180 : memref<1x160xi32, #tpu.memory_space<hbm>> -> memref<160xi32, #tpu.memory_space<hbm>>
      tpu.enqueue_dma source(%dma_start3A_181 : memref<160xi32, #tpu.memory_space<hbm>>) target(%dma_start3A_179 : memref<160xi32, #tpu.memory_space<vmem>>) target_semaphore(%arg23 : memref<!tpu.dma_semaphore, #tpu.memory_space<semaphore_mem>>)
      %add3A_182 = arith.constant 19840 : i32
      %add3A_183 = arith.addi %mul3A_25, %add3A_182 : i32
      %dma_start3A_184 = arith.constant 0 : i32
      %dma_start3A_185 = tpu.memref_slice %arg15[%dma_start3A_184] : memref<640xf32, #tpu.memory_space<vmem>> -> memref<160xf32, #tpu.memory_space<vmem>>
      %dma_start3A_186 = tpu.memref_slice %arg7[%add3A_183] : memref<320000xf32, #tpu.memory_space<hbm>> -> memref<160xf32, #tpu.memory_space<hbm>>
      %dma_start3A_187 = arith.constant 0 : i32
      %dma_start3A_188 = tpu.memref_slice %arg15[%dma_start3A_187] : memref<640xf32, #tpu.memory_space<vmem>> -> memref<160xf32, #tpu.memory_space<vmem>>
      %dma_start3A_189 = tpu.memref_slice %arg7[%add3A_183] : memref<320000xf32, #tpu.memory_space<hbm>> -> memref<160xf32, #tpu.memory_space<hbm>>
      tpu.enqueue_dma source(%dma_start3A_189 : memref<160xf32, #tpu.memory_space<hbm>>) target(%dma_start3A_188 : memref<160xf32, #tpu.memory_space<vmem>>) target_semaphore(%arg23 : memref<!tpu.dma_semaphore, #tpu.memory_space<semaphore_mem>>)
    } else {
    }
    %eq3A_80 = arith.constant 0 : i32
    %eq3A_81 = arith.cmpi eq, %arg0, %eq3A_80 : i32
    %convert_element_type3A_82 = arith.extui %eq3A_81 : i1 to i32
    %cond3A_83 = arith.constant 0 : i32
    %cond3A_84 = arith.cmpi ne, %convert_element_type3A_82, %cond3A_83 : i32
    scf.if %cond3A_84 {
      %add3A_160 = arith.constant 19840 : i32
      %add3A_161 = arith.addi %mul3A_25, %add3A_160 : i32
      %dma_wait3A_162 = arith.constant 0 : i32
      %dma_wait3A_163 = arith.constant 0 : i32
      %dma_wait3A_164 = tpu.memref_slice %arg11[%dma_wait3A_163] : memref<640xi32, #tpu.memory_space<vmem>> -> memref<160xi32, #tpu.memory_space<vmem>>
      %dma_wait3A_165 = tpu.memref_slice %arg4[%dma_wait3A_162, %add3A_161] : memref<2x320000xi32, #tpu.memory_space<hbm>> -> memref<1x160xi32, #tpu.memory_space<hbm>>
      %dma_wait3A_166 = tpu.memref_squeeze %dma_wait3A_165 : memref<1x160xi32, #tpu.memory_space<hbm>> -> memref<160xi32, #tpu.memory_space<hbm>>
      %dma_wait3A_167 = arith.constant 0 : i32
      %dma_wait3A_168 = tpu.memref_slice %arg11[%dma_wait3A_167] : memref<640xi32, #tpu.memory_space<vmem>> -> memref<160xi32, #tpu.memory_space<vmem>>
      %dma_wait3A_169 = tpu.memref_slice %arg4[%dma_wait3A_162, %add3A_161] : memref<2x320000xi32, #tpu.memory_space<hbm>> -> memref<1x160xi32, #tpu.memory_space<hbm>>
      %dma_wait3A_170 = tpu.memref_squeeze %dma_wait3A_169 : memref<1x160xi32, #tpu.memory_space<hbm>> -> memref<160xi32, #tpu.memory_space<hbm>>
      tpu.wait_dma2 semaphore(%arg23 : memref<!tpu.dma_semaphore, #tpu.memory_space<semaphore_mem>>) src(%dma_wait3A_170 : memref<160xi32, #tpu.memory_space<hbm>>) dst(%dma_wait3A_168 : memref<160xi32, #tpu.memory_space<vmem>>)
      %add3A_171 = arith.constant 19840 : i32
      %add3A_172 = arith.addi %mul3A_25, %add3A_171 : i32
      %dma_wait3A_173 = arith.constant 1 : i32
      %dma_wait3A_174 = arith.constant 0 : i32
      %dma_wait3A_175 = tpu.memref_slice %arg13[%dma_wait3A_174] : memref<640xi32, #tpu.memory_space<vmem>> -> memref<160xi32, #tpu.memory_space<vmem>>
      %dma_wait3A_176 = tpu.memref_slice %arg4[%dma_wait3A_173, %add3A_172] : memref<2x320000xi32, #tpu.memory_space<hbm>> -> memref<1x160xi32, #tpu.memory_space<hbm>>
      %dma_wait3A_177 = tpu.memref_squeeze %dma_wait3A_176 : memref<1x160xi32, #tpu.memory_space<hbm>> -> memref<160xi32, #tpu.memory_space<hbm>>
      %dma_wait3A_178 = arith.constant 0 : i32
      %dma_wait3A_179 = tpu.memref_slice %arg13[%dma_wait3A_178] : memref<640xi32, #tpu.memory_space<vmem>> -> memref<160xi32, #tpu.memory_space<vmem>>
      %dma_wait3A_180 = tpu.memref_slice %arg4[%dma_wait3A_173, %add3A_172] : memref<2x320000xi32, #tpu.memory_space<hbm>> -> memref<1x160xi32, #tpu.memory_space<hbm>>
      %dma_wait3A_181 = tpu.memref_squeeze %dma_wait3A_180 : memref<1x160xi32, #tpu.memory_space<hbm>> -> memref<160xi32, #tpu.memory_space<hbm>>
      tpu.wait_dma2 semaphore(%arg23 : memref<!tpu.dma_semaphore, #tpu.memory_space<semaphore_mem>>) src(%dma_wait3A_181 : memref<160xi32, #tpu.memory_space<hbm>>) dst(%dma_wait3A_179 : memref<160xi32, #tpu.memory_space<vmem>>)
      %add3A_182 = arith.constant 19840 : i32
      %add3A_183 = arith.addi %mul3A_25, %add3A_182 : i32
      %dma_wait3A_184 = arith.constant 0 : i32
      %dma_wait3A_185 = tpu.memref_slice %arg15[%dma_wait3A_184] : memref<640xf32, #tpu.memory_space<vmem>> -> memref<160xf32, #tpu.memory_space<vmem>>
      %dma_wait3A_186 = tpu.memref_slice %arg6[%add3A_183] : memref<320000xf32, #tpu.memory_space<hbm>> -> memref<160xf32, #tpu.memory_space<hbm>>
      %dma_wait3A_187 = arith.constant 0 : i32
      %dma_wait3A_188 = tpu.memref_slice %arg15[%dma_wait3A_187] : memref<640xf32, #tpu.memory_space<vmem>> -> memref<160xf32, #tpu.memory_space<vmem>>
      %dma_wait3A_189 = tpu.memref_slice %arg6[%add3A_183] : memref<320000xf32, #tpu.memory_space<hbm>> -> memref<160xf32, #tpu.memory_space<hbm>>
      tpu.wait_dma2 semaphore(%arg23 : memref<!tpu.dma_semaphore, #tpu.memory_space<semaphore_mem>>) src(%dma_wait3A_189 : memref<160xf32, #tpu.memory_space<hbm>>) dst(%dma_wait3A_188 : memref<160xf32, #tpu.memory_space<vmem>>)
    } else {
    }
    %eq3A_85 = arith.constant 1 : i32
    %eq3A_86 = arith.cmpi eq, %arg0, %eq3A_85 : i32
    %convert_element_type3A_87 = arith.extui %eq3A_86 : i1 to i32
    %cond3A_88 = arith.constant 0 : i32
    %cond3A_89 = arith.cmpi ne, %convert_element_type3A_87, %cond3A_88 : i32
    scf.if %cond3A_89 {
      %add3A_160 = arith.constant 19840 : i32
      %add3A_161 = arith.addi %mul3A_25, %add3A_160 : i32
      %dma_wait3A_162 = arith.constant 0 : i32
      %dma_wait3A_163 = arith.constant 0 : i32
      %dma_wait3A_164 = tpu.memref_slice %arg11[%dma_wait3A_163] : memref<640xi32, #tpu.memory_space<vmem>> -> memref<160xi32, #tpu.memory_space<vmem>>
      %dma_wait3A_165 = tpu.memref_slice %arg5[%dma_wait3A_162, %add3A_161] : memref<2x320000xi32, #tpu.memory_space<hbm>> -> memref<1x160xi32, #tpu.memory_space<hbm>>
      %dma_wait3A_166 = tpu.memref_squeeze %dma_wait3A_165 : memref<1x160xi32, #tpu.memory_space<hbm>> -> memref<160xi32, #tpu.memory_space<hbm>>
      %dma_wait3A_167 = arith.constant 0 : i32
      %dma_wait3A_168 = tpu.memref_slice %arg11[%dma_wait3A_167] : memref<640xi32, #tpu.memory_space<vmem>> -> memref<160xi32, #tpu.memory_space<vmem>>
      %dma_wait3A_169 = tpu.memref_slice %arg5[%dma_wait3A_162, %add3A_161] : memref<2x320000xi32, #tpu.memory_space<hbm>> -> memref<1x160xi32, #tpu.memory_space<hbm>>
      %dma_wait3A_170 = tpu.memref_squeeze %dma_wait3A_169 : memref<1x160xi32, #tpu.memory_space<hbm>> -> memref<160xi32, #tpu.memory_space<hbm>>
      tpu.wait_dma2 semaphore(%arg23 : memref<!tpu.dma_semaphore, #tpu.memory_space<semaphore_mem>>) src(%dma_wait3A_170 : memref<160xi32, #tpu.memory_space<hbm>>) dst(%dma_wait3A_168 : memref<160xi32, #tpu.memory_space<vmem>>)
      %add3A_171 = arith.constant 19840 : i32
      %add3A_172 = arith.addi %mul3A_25, %add3A_171 : i32
      %dma_wait3A_173 = arith.constant 1 : i32
      %dma_wait3A_174 = arith.constant 0 : i32
      %dma_wait3A_175 = tpu.memref_slice %arg13[%dma_wait3A_174] : memref<640xi32, #tpu.memory_space<vmem>> -> memref<160xi32, #tpu.memory_space<vmem>>
      %dma_wait3A_176 = tpu.memref_slice %arg5[%dma_wait3A_173, %add3A_172] : memref<2x320000xi32, #tpu.memory_space<hbm>> -> memref<1x160xi32, #tpu.memory_space<hbm>>
      %dma_wait3A_177 = tpu.memref_squeeze %dma_wait3A_176 : memref<1x160xi32, #tpu.memory_space<hbm>> -> memref<160xi32, #tpu.memory_space<hbm>>
      %dma_wait3A_178 = arith.constant 0 : i32
      %dma_wait3A_179 = tpu.memref_slice %arg13[%dma_wait3A_178] : memref<640xi32, #tpu.memory_space<vmem>> -> memref<160xi32, #tpu.memory_space<vmem>>
      %dma_wait3A_180 = tpu.memref_slice %arg5[%dma_wait3A_173, %add3A_172] : memref<2x320000xi32, #tpu.memory_space<hbm>> -> memref<1x160xi32, #tpu.memory_space<hbm>>
      %dma_wait3A_181 = tpu.memref_squeeze %dma_wait3A_180 : memref<1x160xi32, #tpu.memory_space<hbm>> -> memref<160xi32, #tpu.memory_space<hbm>>
      tpu.wait_dma2 semaphore(%arg23 : memref<!tpu.dma_semaphore, #tpu.memory_space<semaphore_mem>>) src(%dma_wait3A_181 : memref<160xi32, #tpu.memory_space<hbm>>) dst(%dma_wait3A_179 : memref<160xi32, #tpu.memory_space<vmem>>)
      %add3A_182 = arith.constant 19840 : i32
      %add3A_183 = arith.addi %mul3A_25, %add3A_182 : i32
      %dma_wait3A_184 = arith.constant 0 : i32
      %dma_wait3A_185 = tpu.memref_slice %arg15[%dma_wait3A_184] : memref<640xf32, #tpu.memory_space<vmem>> -> memref<160xf32, #tpu.memory_space<vmem>>
      %dma_wait3A_186 = tpu.memref_slice %arg7[%add3A_183] : memref<320000xf32, #tpu.memory_space<hbm>> -> memref<160xf32, #tpu.memory_space<hbm>>
      %dma_wait3A_187 = arith.constant 0 : i32
      %dma_wait3A_188 = tpu.memref_slice %arg15[%dma_wait3A_187] : memref<640xf32, #tpu.memory_space<vmem>> -> memref<160xf32, #tpu.memory_space<vmem>>
      %dma_wait3A_189 = tpu.memref_slice %arg7[%add3A_183] : memref<320000xf32, #tpu.memory_space<hbm>> -> memref<160xf32, #tpu.memory_space<hbm>>
      tpu.wait_dma2 semaphore(%arg23 : memref<!tpu.dma_semaphore, #tpu.memory_space<semaphore_mem>>) src(%dma_wait3A_189 : memref<160xf32, #tpu.memory_space<hbm>>) dst(%dma_wait3A_188 : memref<160xf32, #tpu.memory_space<vmem>>)
    } else {
    }
    %eq3A_90 = arith.constant 0 : i32
    %eq3A_91 = arith.cmpi eq, %arg0, %eq3A_90 : i32
    %convert_element_type3A_92 = arith.extui %eq3A_91 : i1 to i32
    %cond3A_93 = arith.constant 0 : i32
    %cond3A_94 = arith.cmpi ne, %convert_element_type3A_92, %cond3A_93 : i32
    scf.if %cond3A_94 {
      %dma_start3A_160 = arith.constant 0 : i32
      %dma_start3A_161 = arith.constant 0 : i32
      %dma_start3A_162 = tpu.memref_slice %arg18[%dma_start3A_160, %dma_start3A_161] : memref<640x64xf32, #tpu.memory_space<vmem>> -> memref<160x64xf32, #tpu.memory_space<vmem>>
      %dma_start3A_163 = arith.constant 0 : i32
      %dma_start3A_164 = tpu.memref_slice %arg11[%dma_start3A_163] : memref<640xi32, #tpu.memory_space<vmem>> -> memref<160xi32, #tpu.memory_space<vmem>>
      %dma_start3A_165 = arith.constant 0 : i32
      %dma_start3A_166 = arith.constant 0 : i32
      %dma_start3A_167 = tpu.memref_slice %arg2[%dma_start3A_165, %dma_start3A_166] : memref<10000x64xf32, #tpu.memory_space<hbm>> -> memref<10000x64xf32, #tpu.memory_space<hbm>>
      tpu.enqueue_indirect_dma source(%dma_start3A_167 : memref<10000x64xf32, #tpu.memory_space<hbm>>) target(%dma_start3A_162 : memref<160x64xf32, #tpu.memory_space<vmem>>) offsets(%dma_start3A_164 : memref<160xi32, #tpu.memory_space<vmem>>) semaphore(%arg24 : memref<!tpu.dma_semaphore, #tpu.memory_space<semaphore_mem>>)
    } else {
    }
    %eq3A_95 = arith.constant 1 : i32
    %eq3A_96 = arith.cmpi eq, %arg0, %eq3A_95 : i32
    %convert_element_type3A_97 = arith.extui %eq3A_96 : i1 to i32
    %cond3A_98 = arith.constant 0 : i32
    %cond3A_99 = arith.cmpi ne, %convert_element_type3A_97, %cond3A_98 : i32
    scf.if %cond3A_99 {
      %dma_start3A_160 = arith.constant 0 : i32
      %dma_start3A_161 = arith.constant 0 : i32
      %dma_start3A_162 = tpu.memref_slice %arg18[%dma_start3A_160, %dma_start3A_161] : memref<640x64xf32, #tpu.memory_space<vmem>> -> memref<160x64xf32, #tpu.memory_space<vmem>>
      %dma_start3A_163 = arith.constant 0 : i32
      %dma_start3A_164 = tpu.memref_slice %arg11[%dma_start3A_163] : memref<640xi32, #tpu.memory_space<vmem>> -> memref<160xi32, #tpu.memory_space<vmem>>
      %dma_start3A_165 = arith.constant 0 : i32
      %dma_start3A_166 = arith.constant 0 : i32
      %dma_start3A_167 = tpu.memref_slice %arg3[%dma_start3A_165, %dma_start3A_166] : memref<10000x64xf32, #tpu.memory_space<hbm>> -> memref<10000x64xf32, #tpu.memory_space<hbm>>
      tpu.enqueue_indirect_dma source(%dma_start3A_167 : memref<10000x64xf32, #tpu.memory_space<hbm>>) target(%dma_start3A_162 : memref<160x64xf32, #tpu.memory_space<vmem>>) offsets(%dma_start3A_164 : memref<160xi32, #tpu.memory_space<vmem>>) semaphore(%arg24 : memref<!tpu.dma_semaphore, #tpu.memory_space<semaphore_mem>>)
    } else {
    }
    %eq3A_100 = arith.constant 0 : i32
    %eq3A_101 = arith.cmpi eq, %arg0, %eq3A_100 : i32
    %convert_element_type3A_102 = arith.extui %eq3A_101 : i1 to i32
    %cond3A_103 = arith.constant 0 : i32
    %cond3A_104 = arith.cmpi ne, %convert_element_type3A_102, %cond3A_103 : i32
    scf.if %cond3A_104 {
      %dma_wait3A_160 = arith.constant 0 : i32
      %dma_wait3A_161 = arith.constant 0 : i32
      %dma_wait3A_162 = tpu.memref_slice %arg18[%dma_wait3A_160, %dma_wait3A_161] : memref<640x64xf32, #tpu.memory_space<vmem>> -> memref<160x64xf32, #tpu.memory_space<vmem>>
      %dma_wait3A_163 = arith.constant 0 : i32
      %dma_wait3A_164 = tpu.memref_slice %arg11[%dma_wait3A_163] : memref<640xi32, #tpu.memory_space<vmem>> -> memref<160xi32, #tpu.memory_space<vmem>>
      %dma_wait3A_165 = arith.constant 0 : i32
      %dma_wait3A_166 = arith.constant 0 : i32
      %dma_wait3A_167 = tpu.memref_slice %arg2[%dma_wait3A_165, %dma_wait3A_166] : memref<10000x64xf32, #tpu.memory_space<hbm>> -> memref<10000x64xf32, #tpu.memory_space<hbm>>
      tpu.wait_indirect_dma semaphore(%arg24 : memref<!tpu.dma_semaphore, #tpu.memory_space<semaphore_mem>>) src(%dma_wait3A_167 : memref<10000x64xf32, #tpu.memory_space<hbm>>) dst(%dma_wait3A_162 : memref<160x64xf32, #tpu.memory_space<vmem>>)
    } else {
    }
    %eq3A_105 = arith.constant 1 : i32
    %eq3A_106 = arith.cmpi eq, %arg0, %eq3A_105 : i32
    %convert_element_type3A_107 = arith.extui %eq3A_106 : i1 to i32
    %cond3A_108 = arith.constant 0 : i32
    %cond3A_109 = arith.cmpi ne, %convert_element_type3A_107, %cond3A_108 : i32
    scf.if %cond3A_109 {
      %dma_wait3A_160 = arith.constant 0 : i32
      %dma_wait3A_161 = arith.constant 0 : i32
      %dma_wait3A_162 = tpu.memref_slice %arg18[%dma_wait3A_160, %dma_wait3A_161] : memref<640x64xf32, #tpu.memory_space<vmem>> -> memref<160x64xf32, #tpu.memory_space<vmem>>
      %dma_wait3A_163 = arith.constant 0 : i32
      %dma_wait3A_164 = tpu.memref_slice %arg11[%dma_wait3A_163] : memref<640xi32, #tpu.memory_space<vmem>> -> memref<160xi32, #tpu.memory_space<vmem>>
      %dma_wait3A_165 = arith.constant 0 : i32
      %dma_wait3A_166 = arith.constant 0 : i32
      %dma_wait3A_167 = tpu.memref_slice %arg3[%dma_wait3A_165, %dma_wait3A_166] : memref<10000x64xf32, #tpu.memory_space<hbm>> -> memref<10000x64xf32, #tpu.memory_space<hbm>>
      tpu.wait_indirect_dma semaphore(%arg24 : memref<!tpu.dma_semaphore, #tpu.memory_space<semaphore_mem>>) src(%dma_wait3A_167 : memref<10000x64xf32, #tpu.memory_space<hbm>>) dst(%dma_wait3A_162 : memref<160x64xf32, #tpu.memory_space<vmem>>)
    } else {
    }
    %dma_start3A = arith.constant 0 : i32
    %dma_start3A_110 = arith.constant 0 : i32
    %dma_start3A_111 = tpu.memref_slice %arg18[%dma_start3A, %dma_start3A_110] : memref<640x64xf32, #tpu.memory_space<vmem>> -> memref<160x64xf32, #tpu.memory_space<vmem>>
    %dma_start3A_112 = arith.constant 0 : i32
    %dma_start3A_113 = tpu.memref_slice %arg13[%dma_start3A_112] : memref<640xi32, #tpu.memory_space<vmem>> -> memref<160xi32, #tpu.memory_space<vmem>>
    %dma_start3A_114 = arith.constant 0 : i32
    %dma_start3A_115 = arith.constant 0 : i32
    %dma_start3A_116 = tpu.memref_slice %arg20[%dma_start3A_114, %dma_start3A_115] : memref<10240x64xf32, #tpu.memory_space<vmem_shared>> -> memref<10240x64xf32, #tpu.memory_space<vmem_shared>>
    tpu.enqueue_indirect_dma source(%dma_start3A_111 : memref<160x64xf32, #tpu.memory_space<vmem>>) target(%dma_start3A_116 : memref<10240x64xf32, #tpu.memory_space<vmem_shared>>) offsets(%dma_start3A_113 : memref<160xi32, #tpu.memory_space<vmem>>) semaphore(%arg25 : memref<!tpu.dma_semaphore, #tpu.memory_space<semaphore_mem>>) {add = true}
    %dma_start3A_117 = arith.constant 0 : i32
    %dma_start3A_118 = tpu.memref_slice %arg15[%dma_start3A_117] : memref<640xf32, #tpu.memory_space<vmem>> -> memref<160xf32, #tpu.memory_space<vmem>>
    %dma_start3A_119 = arith.constant 0 : i32
    %dma_start3A_120 = tpu.memref_slice %arg13[%dma_start3A_119] : memref<640xi32, #tpu.memory_space<vmem>> -> memref<160xi32, #tpu.memory_space<vmem>>
    %dma_start3A_121 = arith.constant 0 : i32
    %dma_start3A_122 = tpu.memref_slice %arg22[%dma_start3A_121] : memref<10240xf32, #tpu.memory_space<vmem_shared>> -> memref<10240xf32, #tpu.memory_space<vmem_shared>>
    tpu.enqueue_indirect_dma source(%dma_start3A_118 : memref<160xf32, #tpu.memory_space<vmem>>) target(%dma_start3A_122 : memref<10240xf32, #tpu.memory_space<vmem_shared>>) offsets(%dma_start3A_120 : memref<160xi32, #tpu.memory_space<vmem>>) semaphore(%arg25 : memref<!tpu.dma_semaphore, #tpu.memory_space<semaphore_mem>>) {add = true}
    %dma_start3A_123 = arith.constant 0 : i32
    %dma_start3A_124 = tpu.memref_slice %arg17[%dma_start3A_123] : memref<640xf32, #tpu.memory_space<vmem>> -> memref<160xf32, #tpu.memory_space<vmem>>
    %dma_start3A_125 = arith.constant 0 : i32
    %dma_start3A_126 = tpu.memref_slice %arg13[%dma_start3A_125] : memref<640xi32, #tpu.memory_space<vmem>> -> memref<160xi32, #tpu.memory_space<vmem>>
    %dma_start3A_127 = arith.constant 0 : i32
    %dma_start3A_128 = tpu.memref_slice %arg21[%dma_start3A_127] : memref<10240xf32, #tpu.memory_space<vmem_shared>> -> memref<10240xf32, #tpu.memory_space<vmem_shared>>
    tpu.enqueue_indirect_dma source(%dma_start3A_124 : memref<160xf32, #tpu.memory_space<vmem>>) target(%dma_start3A_128 : memref<10240xf32, #tpu.memory_space<vmem_shared>>) offsets(%dma_start3A_126 : memref<160xi32, #tpu.memory_space<vmem>>) semaphore(%arg25 : memref<!tpu.dma_semaphore, #tpu.memory_space<semaphore_mem>>) {add = true}
    %dma_wait3A = arith.constant 0 : i32
    %dma_wait3A_129 = arith.constant 0 : i32
    %dma_wait3A_130 = tpu.memref_slice %arg18[%dma_wait3A, %dma_wait3A_129] : memref<640x64xf32, #tpu.memory_space<vmem>> -> memref<160x64xf32, #tpu.memory_space<vmem>>
    %dma_wait3A_131 = arith.constant 0 : i32
    %dma_wait3A_132 = tpu.memref_slice %arg13[%dma_wait3A_131] : memref<640xi32, #tpu.memory_space<vmem>> -> memref<160xi32, #tpu.memory_space<vmem>>
    %dma_wait3A_133 = arith.constant 0 : i32
    %dma_wait3A_134 = arith.constant 0 : i32
    %dma_wait3A_135 = tpu.memref_slice %arg20[%dma_wait3A_133, %dma_wait3A_134] : memref<10240x64xf32, #tpu.memory_space<vmem_shared>> -> memref<10240x64xf32, #tpu.memory_space<vmem_shared>>
    tpu.wait_indirect_dma semaphore(%arg25 : memref<!tpu.dma_semaphore, #tpu.memory_space<semaphore_mem>>) src(%dma_wait3A_130 : memref<160x64xf32, #tpu.memory_space<vmem>>) dst(%dma_wait3A_135 : memref<10240x64xf32, #tpu.memory_space<vmem_shared>>)
    %dma_wait3A_136 = arith.constant 0 : i32
    %dma_wait3A_137 = tpu.memref_slice %arg15[%dma_wait3A_136] : memref<640xf32, #tpu.memory_space<vmem>> -> memref<160xf32, #tpu.memory_space<vmem>>
    %dma_wait3A_138 = arith.constant 0 : i32
    %dma_wait3A_139 = tpu.memref_slice %arg13[%dma_wait3A_138] : memref<640xi32, #tpu.memory_space<vmem>> -> memref<160xi32, #tpu.memory_space<vmem>>
    %dma_wait3A_140 = arith.constant 0 : i32
    %dma_wait3A_141 = tpu.memref_slice %arg22[%dma_wait3A_140] : memref<10240xf32, #tpu.memory_space<vmem_shared>> -> memref<10240xf32, #tpu.memory_space<vmem_shared>>
    tpu.wait_indirect_dma semaphore(%arg25 : memref<!tpu.dma_semaphore, #tpu.memory_space<semaphore_mem>>) src(%dma_wait3A_137 : memref<160xf32, #tpu.memory_space<vmem>>) dst(%dma_wait3A_141 : memref<10240xf32, #tpu.memory_space<vmem_shared>>)
    %dma_wait3A_142 = arith.constant 0 : i32
    %dma_wait3A_143 = tpu.memref_slice %arg17[%dma_wait3A_142] : memref<640xf32, #tpu.memory_space<vmem>> -> memref<160xf32, #tpu.memory_space<vmem>>
    %dma_wait3A_144 = arith.constant 0 : i32
    %dma_wait3A_145 = tpu.memref_slice %arg13[%dma_wait3A_144] : memref<640xi32, #tpu.memory_space<vmem>> -> memref<160xi32, #tpu.memory_space<vmem>>
    %dma_wait3A_146 = arith.constant 0 : i32
    %dma_wait3A_147 = tpu.memref_slice %arg21[%dma_wait3A_146] : memref<10240xf32, #tpu.memory_space<vmem_shared>> -> memref<10240xf32, #tpu.memory_space<vmem_shared>>
    tpu.wait_indirect_dma semaphore(%arg25 : memref<!tpu.dma_semaphore, #tpu.memory_space<semaphore_mem>>) src(%dma_wait3A_143 : memref<160xf32, #tpu.memory_space<vmem>>) dst(%dma_wait3A_147 : memref<10240xf32, #tpu.memory_space<vmem_shared>>)
    %barrier3A_148 = arith.constant 0 : index
    tpu.barrier barrier_id(%barrier3A_148)
    %mul3A_149 = arith.constant 10000 : i32
    %mul3A_150 = arith.muli %arg0, %mul3A_149 : i32
    %add3A = arith.addi %mul3A_150, %mul3A_23 : i32
    %lt3A = arith.constant 15 : i32
    %lt3A_151 = arith.cmpi slt, %arg1, %lt3A : i32
    %convert_element_type3A_152 = arith.extui %lt3A_151 : i1 to i32
    %cond3A_153 = arith.constant 0 : i32
    %cond3A_154 = arith.cmpi ne, %convert_element_type3A_152, %cond3A_153 : i32
    scf.if %cond3A_154 {
      "tpu.region"() ({
        %run_scoped3A = tpu.sem_alloc : memref<!tpu.dma_semaphore, #tpu.memory_space<semaphore_mem>>
        %dma_start3A_160 = arith.constant 0 : i32
        %dma_start3A_161 = tpu.memref_slice %arg8[%add3A, %dma_start3A_160] : memref<20000x64xf32, #tpu.memory_space<hbm>> -> memref<640x64xf32, #tpu.memory_space<hbm>>
        %dma_start3A_162 = arith.constant 0 : i32
        %dma_start3A_163 = tpu.memref_slice %arg20[%mul3A_23, %dma_start3A_162] : memref<10240x64xf32, #tpu.memory_space<vmem_shared>> -> memref<640x64xf32, #tpu.memory_space<vmem_shared>>
        tpu.enqueue_dma source(%dma_start3A_163 : memref<640x64xf32, #tpu.memory_space<vmem_shared>>) target(%dma_start3A_161 : memref<640x64xf32, #tpu.memory_space<hbm>>) target_semaphore(%run_scoped3A : memref<!tpu.dma_semaphore, #tpu.memory_space<semaphore_mem>>)
        %dma_wait3A_164 = arith.constant 0 : i32
        %dma_wait3A_165 = tpu.memref_slice %arg8[%add3A, %dma_wait3A_164] : memref<20000x64xf32, #tpu.memory_space<hbm>> -> memref<640x64xf32, #tpu.memory_space<hbm>>
        %dma_wait3A_166 = arith.constant 0 : i32
        %dma_wait3A_167 = tpu.memref_slice %arg20[%mul3A_23, %dma_wait3A_166] : memref<10240x64xf32, #tpu.memory_space<vmem_shared>> -> memref<640x64xf32, #tpu.memory_space<vmem_shared>>
        tpu.wait_dma2 semaphore(%run_scoped3A : memref<!tpu.dma_semaphore, #tpu.memory_space<semaphore_mem>>) src(%dma_wait3A_167 : memref<640x64xf32, #tpu.memory_space<vmem_shared>>) dst(%dma_wait3A_165 : memref<640x64xf32, #tpu.memory_space<hbm>>)
        tpu.yield
      }) : () -> ()
      "tpu.region"() ({
        %run_scoped3A = tpu.sem_alloc : memref<!tpu.dma_semaphore, #tpu.memory_space<semaphore_mem>>
        %dma_start3A_160 = tpu.memref_slice %arg9[%add3A] : memref<20000xf32, #tpu.memory_space<hbm>> -> memref<640xf32, #tpu.memory_space<hbm>>
        %dma_start3A_161 = tpu.memref_slice %arg21[%mul3A_23] : memref<10240xf32, #tpu.memory_space<vmem_shared>> -> memref<640xf32, #tpu.memory_space<vmem_shared>>
        tpu.enqueue_dma source(%dma_start3A_161 : memref<640xf32, #tpu.memory_space<vmem_shared>>) target(%dma_start3A_160 : memref<640xf32, #tpu.memory_space<hbm>>) target_semaphore(%run_scoped3A : memref<!tpu.dma_semaphore, #tpu.memory_space<semaphore_mem>>)
        %dma_wait3A_162 = tpu.memref_slice %arg9[%add3A] : memref<20000xf32, #tpu.memory_space<hbm>> -> memref<640xf32, #tpu.memory_space<hbm>>
        %dma_wait3A_163 = tpu.memref_slice %arg21[%mul3A_23] : memref<10240xf32, #tpu.memory_space<vmem_shared>> -> memref<640xf32, #tpu.memory_space<vmem_shared>>
        tpu.wait_dma2 semaphore(%run_scoped3A : memref<!tpu.dma_semaphore, #tpu.memory_space<semaphore_mem>>) src(%dma_wait3A_163 : memref<640xf32, #tpu.memory_space<vmem_shared>>) dst(%dma_wait3A_162 : memref<640xf32, #tpu.memory_space<hbm>>)
        tpu.yield
      }) : () -> ()
      "tpu.region"() ({
        %run_scoped3A = tpu.sem_alloc : memref<!tpu.dma_semaphore, #tpu.memory_space<semaphore_mem>>
        %dma_start3A_160 = tpu.memref_slice %arg10[%add3A] : memref<20000xf32, #tpu.memory_space<hbm>> -> memref<640xf32, #tpu.memory_space<hbm>>
        %dma_start3A_161 = tpu.memref_slice %arg22[%mul3A_23] : memref<10240xf32, #tpu.memory_space<vmem_shared>> -> memref<640xf32, #tpu.memory_space<vmem_shared>>
        tpu.enqueue_dma source(%dma_start3A_161 : memref<640xf32, #tpu.memory_space<vmem_shared>>) target(%dma_start3A_160 : memref<640xf32, #tpu.memory_space<hbm>>) target_semaphore(%run_scoped3A : memref<!tpu.dma_semaphore, #tpu.memory_space<semaphore_mem>>)
        %dma_wait3A_162 = tpu.memref_slice %arg10[%add3A] : memref<20000xf32, #tpu.memory_space<hbm>> -> memref<640xf32, #tpu.memory_space<hbm>>
        %dma_wait3A_163 = tpu.memref_slice %arg22[%mul3A_23] : memref<10240xf32, #tpu.memory_space<vmem_shared>> -> memref<640xf32, #tpu.memory_space<vmem_shared>>
        tpu.wait_dma2 semaphore(%run_scoped3A : memref<!tpu.dma_semaphore, #tpu.memory_space<semaphore_mem>>) src(%dma_wait3A_163 : memref<640xf32, #tpu.memory_space<vmem_shared>>) dst(%dma_wait3A_162 : memref<640xf32, #tpu.memory_space<hbm>>)
        tpu.yield
      }) : () -> ()
    } else {
    }
    %eq3A_155 = arith.constant 15 : i32
    %eq3A_156 = arith.cmpi eq, %arg1, %eq3A_155 : i32
    %convert_element_type3A_157 = arith.extui %eq3A_156 : i1 to i32
    %cond3A_158 = arith.constant 0 : i32
    %cond3A_159 = arith.cmpi ne, %convert_element_type3A_157, %cond3A_158 : i32
    scf.if %cond3A_159 {
      "tpu.region"() ({
        %run_scoped3A = tpu.sem_alloc : memref<!tpu.dma_semaphore, #tpu.memory_space<semaphore_mem>>
        %dma_start3A_160 = arith.constant 0 : i32
        %dma_start3A_161 = tpu.memref_slice %arg8[%add3A, %dma_start3A_160] : memref<20000x64xf32, #tpu.memory_space<hbm>> -> memref<400x64xf32, #tpu.memory_space<hbm>>
        %dma_start3A_162 = arith.constant 0 : i32
        %dma_start3A_163 = tpu.memref_slice %arg20[%mul3A_23, %dma_start3A_162] : memref<10240x64xf32, #tpu.memory_space<vmem_shared>> -> memref<400x64xf32, #tpu.memory_space<vmem_shared>>
        tpu.enqueue_dma source(%dma_start3A_163 : memref<400x64xf32, #tpu.memory_space<vmem_shared>>) target(%dma_start3A_161 : memref<400x64xf32, #tpu.memory_space<hbm>>) target_semaphore(%run_scoped3A : memref<!tpu.dma_semaphore, #tpu.memory_space<semaphore_mem>>)
        %dma_wait3A_164 = arith.constant 0 : i32
        %dma_wait3A_165 = tpu.memref_slice %arg8[%add3A, %dma_wait3A_164] : memref<20000x64xf32, #tpu.memory_space<hbm>> -> memref<400x64xf32, #tpu.memory_space<hbm>>
        %dma_wait3A_166 = arith.constant 0 : i32
        %dma_wait3A_167 = tpu.memref_slice %arg20[%mul3A_23, %dma_wait3A_166] : memref<10240x64xf32, #tpu.memory_space<vmem_shared>> -> memref<400x64xf32, #tpu.memory_space<vmem_shared>>
        tpu.wait_dma2 semaphore(%run_scoped3A : memref<!tpu.dma_semaphore, #tpu.memory_space<semaphore_mem>>) src(%dma_wait3A_167 : memref<400x64xf32, #tpu.memory_space<vmem_shared>>) dst(%dma_wait3A_165 : memref<400x64xf32, #tpu.memory_space<hbm>>)
        tpu.yield
      }) : () -> ()
      "tpu.region"() ({
        %run_scoped3A = tpu.sem_alloc : memref<!tpu.dma_semaphore, #tpu.memory_space<semaphore_mem>>
        %dma_start3A_160 = tpu.memref_slice %arg9[%add3A] : memref<20000xf32, #tpu.memory_space<hbm>> -> memref<400xf32, #tpu.memory_space<hbm>>
        %dma_start3A_161 = tpu.memref_slice %arg21[%mul3A_23] : memref<10240xf32, #tpu.memory_space<vmem_shared>> -> memref<400xf32, #tpu.memory_space<vmem_shared>>
        tpu.enqueue_dma source(%dma_start3A_161 : memref<400xf32, #tpu.memory_space<vmem_shared>>) target(%dma_start3A_160 : memref<400xf32, #tpu.memory_space<hbm>>) target_semaphore(%run_scoped3A : memref<!tpu.dma_semaphore, #tpu.memory_space<semaphore_mem>>)
        %dma_wait3A_162 = tpu.memref_slice %arg9[%add3A] : memref<20000xf32, #tpu.memory_space<hbm>> -> memref<400xf32, #tpu.memory_space<hbm>>
        %dma_wait3A_163 = tpu.memref_slice %arg21[%mul3A_23] : memref<10240xf32, #tpu.memory_space<vmem_shared>> -> memref<400xf32, #tpu.memory_space<vmem_shared>>
        tpu.wait_dma2 semaphore(%run_scoped3A : memref<!tpu.dma_semaphore, #tpu.memory_space<semaphore_mem>>) src(%dma_wait3A_163 : memref<400xf32, #tpu.memory_space<vmem_shared>>) dst(%dma_wait3A_162 : memref<400xf32, #tpu.memory_space<hbm>>)
        tpu.yield
      }) : () -> ()
      "tpu.region"() ({
        %run_scoped3A = tpu.sem_alloc : memref<!tpu.dma_semaphore, #tpu.memory_space<semaphore_mem>>
        %dma_start3A_160 = tpu.memref_slice %arg10[%add3A] : memref<20000xf32, #tpu.memory_space<hbm>> -> memref<400xf32, #tpu.memory_space<hbm>>
        %dma_start3A_161 = tpu.memref_slice %arg22[%mul3A_23] : memref<10240xf32, #tpu.memory_space<vmem_shared>> -> memref<400xf32, #tpu.memory_space<vmem_shared>>
        tpu.enqueue_dma source(%dma_start3A_161 : memref<400xf32, #tpu.memory_space<vmem_shared>>) target(%dma_start3A_160 : memref<400xf32, #tpu.memory_space<hbm>>) target_semaphore(%run_scoped3A : memref<!tpu.dma_semaphore, #tpu.memory_space<semaphore_mem>>)
        %dma_wait3A_162 = tpu.memref_slice %arg10[%add3A] : memref<20000xf32, #tpu.memory_space<hbm>> -> memref<400xf32, #tpu.memory_space<hbm>>
        %dma_wait3A_163 = tpu.memref_slice %arg22[%mul3A_23] : memref<10240xf32, #tpu.memory_space<vmem_shared>> -> memref<400xf32, #tpu.memory_space<vmem_shared>>
        tpu.wait_dma2 semaphore(%run_scoped3A : memref<!tpu.dma_semaphore, #tpu.memory_space<semaphore_mem>>) src(%dma_wait3A_163 : memref<400xf32, #tpu.memory_space<vmem_shared>>) dst(%dma_wait3A_162 : memref<400xf32, #tpu.memory_space<hbm>>)
        tpu.yield
      }) : () -> ()
    } else {
    }
    return
  }
}

module attributes {stable_mosaic.version = 14 : i64} {
  func.func @_tbl_body(%arg0: i32, %arg1: memref<2000x128xf32, #tpu.memory_space<vmem>>, %arg2: memref<128x64xf32, #tpu.memory_space<vmem>>, %arg3: memref<2000x64xf32, #tpu.memory_space<vmem>>, %arg4: memref<64x64xf32, #tpu.memory_space<vmem>>, %arg5: memref<2000x2xf32, #tpu.memory_space<vmem>>, %arg6: memref<2x64xf32, #tpu.memory_space<vmem>>, %arg7: memref<2000x64xf32, #tpu.memory_space<vmem>>) attributes {dimension_semantics = [#tpu.dimension_semantics<arbitrary>], iteration_bounds = array<i64: 5>, scalar_prefetch = 0 : i64, scratch_operands = 0 : i64, tpu.core_type = #tpu.core_type<tc>, window_params = [{transform_indices = @transform_0, window_bounds = array<i64: 2000, 128>}, {pipeline_mode = #tpu.pipeline_mode<synchronous>, transform_indices = @transform_1, window_bounds = array<i64: 128, 64>}, {transform_indices = @transform_2, window_bounds = array<i64: 2000, 64>}, {pipeline_mode = #tpu.pipeline_mode<synchronous>, transform_indices = @transform_3, window_bounds = array<i64: 64, 64>}, {transform_indices = @transform_4, window_bounds = array<i64: 2000, 2>}, {pipeline_mode = #tpu.pipeline_mode<synchronous>, transform_indices = @transform_5, window_bounds = array<i64: 2, 64>}, {transform_indices = @transform_6, window_bounds = array<i64: 2000, 64>}]} {
    %get3A = arith.constant 0 : index
    %get3A_0 = arith.constant 0 : index
    %get3A_1 = vector.load %arg1[%get3A, %get3A_0] : memref<2000x128xf32, #tpu.memory_space<vmem>>, vector<2000x128xf32>
    %get3A_2 = arith.constant 0 : index
    %get3A_3 = arith.constant 0 : index
    %get3A_4 = vector.load %arg2[%get3A_2, %get3A_3] : memref<128x64xf32, #tpu.memory_space<vmem>>, vector<128x64xf32>
    %dot_general3A = arith.constant dense<0.000000e+00> : vector<2000x64xf32>
    %dot_general3A_5 = tpu.matmul %get3A_1, %get3A_4, %dot_general3A {dimension_numbers = #tpu.dot_dimension_numbers<[1], [0], [0], [1], [0, 0, 1, 1], [], []>, transpose_lhs_hint = false} : vector<2000x128xf32>, vector<128x64xf32>, vector<2000x64xf32> -> vector<2000x64xf32>
    %get3A_6 = arith.constant 0 : index
    %get3A_7 = arith.constant 0 : index
    %get3A_8 = vector.load %arg3[%get3A_6, %get3A_7] : memref<2000x64xf32, #tpu.memory_space<vmem>>, vector<2000x64xf32>
    %get3A_9 = arith.constant 0 : index
    %get3A_10 = arith.constant 0 : index
    %get3A_11 = vector.load %arg4[%get3A_9, %get3A_10] : memref<64x64xf32, #tpu.memory_space<vmem>>, vector<64x64xf32>
    %dot_general3A_12 = arith.constant dense<0.000000e+00> : vector<2000x64xf32>
    %dot_general3A_13 = tpu.matmul %get3A_8, %get3A_11, %dot_general3A_12 {dimension_numbers = #tpu.dot_dimension_numbers<[1], [0], [0], [1], [0, 0, 1, 1], [], []>, transpose_lhs_hint = false} : vector<2000x64xf32>, vector<64x64xf32>, vector<2000x64xf32> -> vector<2000x64xf32>
    %add3A = arith.addf %dot_general3A_5, %dot_general3A_13 : vector<2000x64xf32>
    %get3A_14 = arith.constant 0 : index
    %get3A_15 = arith.constant 0 : index
    %get3A_16 = vector.load %arg5[%get3A_14, %get3A_15] : memref<2000x2xf32, #tpu.memory_space<vmem>>, vector<2000x2xf32>
    %get3A_17 = arith.constant 0 : index
    %get3A_18 = arith.constant 0 : index
    %get3A_19 = vector.load %arg6[%get3A_17, %get3A_18] : memref<2x64xf32, #tpu.memory_space<vmem>>, vector<2x64xf32>
    %dot_general3A_20 = arith.constant dense<0.000000e+00> : vector<2000x64xf32>
    %dot_general3A_21 = tpu.matmul %get3A_16, %get3A_19, %dot_general3A_20 {dimension_numbers = #tpu.dot_dimension_numbers<[1], [0], [0], [1], [0, 0, 1, 1], [], []>, transpose_lhs_hint = false} : vector<2000x2xf32>, vector<2x64xf32>, vector<2000x64xf32> -> vector<2000x64xf32>
    %add3A_22 = arith.addf %add3A, %dot_general3A_21 : vector<2000x64xf32>
    %swap3A = arith.constant 0 : index
    %swap3A_23 = arith.constant 0 : index
    %swap3A_24 = vector.load %arg7[%swap3A, %swap3A_23] : memref<2000x64xf32, #tpu.memory_space<vmem>>, vector<2000x64xf32>
    tpu.vector_store %arg7[%swap3A, %swap3A_23], %add3A_22 {strides = array<i32>} : memref<2000x64xf32, #tpu.memory_space<vmem>>, vector<2000x64xf32>,
    return
  }
  func.func @transform_0(%arg0: i32) -> (i32, i32) {
    %c0_i32 = arith.constant 0 : i32
    %c0_i32_0 = arith.constant 0 : i32
    return %arg0, %c0_i32 : i32, i32
  }
  func.func @transform_1(%arg0: i32) -> (i32, i32) {
    %c0_i32 = arith.constant 0 : i32
    %c0_i32_0 = arith.constant 0 : i32
    %c0_i32_1 = arith.constant 0 : i32
    return %c0_i32, %c0_i32_0 : i32, i32
  }
  func.func @transform_2(%arg0: i32) -> (i32, i32) {
    %c0_i32 = arith.constant 0 : i32
    %c0_i32_0 = arith.constant 0 : i32
    return %arg0, %c0_i32 : i32, i32
  }
  func.func @transform_3(%arg0: i32) -> (i32, i32) {
    %c0_i32 = arith.constant 0 : i32
    %c0_i32_0 = arith.constant 0 : i32
    %c0_i32_1 = arith.constant 0 : i32
    return %c0_i32, %c0_i32_0 : i32, i32
  }
  func.func @transform_4(%arg0: i32) -> (i32, i32) {
    %c0_i32 = arith.constant 0 : i32
    %c0_i32_0 = arith.constant 0 : i32
    return %arg0, %c0_i32 : i32, i32
  }
  func.func @transform_5(%arg0: i32) -> (i32, i32) {
    %c0_i32 = arith.constant 0 : i32
    %c0_i32_0 = arith.constant 0 : i32
    %c0_i32_1 = arith.constant 0 : i32
    return %c0_i32, %c0_i32_0 : i32, i32
  }
  func.func @transform_6(%arg0: i32) -> (i32, i32) {
    %c0_i32 = arith.constant 0 : i32
    %c0_i32_0 = arith.constant 0 : i32
    return %arg0, %c0_i32 : i32, i32
  }
}

module attributes {stable_mosaic.version = 14 : i64} {
  func.func @_tbl_body(%arg0: i32, %arg1: memref<2000x16xf32, #tpu.memory_space<vmem>>, %arg2: memref<16x64xf32, #tpu.memory_space<vmem>>, %arg3: memref<2000x2xf32, #tpu.memory_space<vmem>>, %arg4: memref<2x64xf32, #tpu.memory_space<vmem>>, %arg5: memref<2000x64xf32, #tpu.memory_space<vmem>>) attributes {dimension_semantics = [#tpu.dimension_semantics<arbitrary>], iteration_bounds = array<i64: 5>, scalar_prefetch = 0 : i64, scratch_operands = 0 : i64, tpu.core_type = #tpu.core_type<tc>, window_params = [{transform_indices = @transform_0, window_bounds = array<i64: 2000, 16>}, {pipeline_mode = #tpu.pipeline_mode<synchronous>, transform_indices = @transform_1, window_bounds = array<i64: 16, 64>}, {transform_indices = @transform_2, window_bounds = array<i64: 2000, 2>}, {pipeline_mode = #tpu.pipeline_mode<synchronous>, transform_indices = @transform_3, window_bounds = array<i64: 2, 64>}, {transform_indices = @transform_4, window_bounds = array<i64: 2000, 64>}]} {
    %get3A = arith.constant 0 : index
    %get3A_0 = arith.constant 0 : index
    %get3A_1 = vector.load %arg1[%get3A, %get3A_0] : memref<2000x16xf32, #tpu.memory_space<vmem>>, vector<2000x16xf32>
    %get3A_2 = arith.constant 0 : index
    %get3A_3 = arith.constant 0 : index
    %get3A_4 = vector.load %arg2[%get3A_2, %get3A_3] : memref<16x64xf32, #tpu.memory_space<vmem>>, vector<16x64xf32>
    %dot_general3A = arith.constant dense<0.000000e+00> : vector<2000x64xf32>
    %dot_general3A_5 = tpu.matmul %get3A_1, %get3A_4, %dot_general3A {dimension_numbers = #tpu.dot_dimension_numbers<[1], [0], [0], [1], [0, 0, 1, 1], [], []>, transpose_lhs_hint = false} : vector<2000x16xf32>, vector<16x64xf32>, vector<2000x64xf32> -> vector<2000x64xf32>
    %get3A_6 = arith.constant 0 : index
    %get3A_7 = arith.constant 0 : index
    %get3A_8 = vector.load %arg3[%get3A_6, %get3A_7] : memref<2000x2xf32, #tpu.memory_space<vmem>>, vector<2000x2xf32>
    %get3A_9 = arith.constant 0 : index
    %get3A_10 = arith.constant 0 : index
    %get3A_11 = vector.load %arg4[%get3A_9, %get3A_10] : memref<2x64xf32, #tpu.memory_space<vmem>>, vector<2x64xf32>
    %dot_general3A_12 = arith.constant dense<0.000000e+00> : vector<2000x64xf32>
    %dot_general3A_13 = tpu.matmul %get3A_8, %get3A_11, %dot_general3A_12 {dimension_numbers = #tpu.dot_dimension_numbers<[1], [0], [0], [1], [0, 0, 1, 1], [], []>, transpose_lhs_hint = false} : vector<2000x2xf32>, vector<2x64xf32>, vector<2000x64xf32> -> vector<2000x64xf32>
    %add3A = arith.addf %dot_general3A_5, %dot_general3A_13 : vector<2000x64xf32>
    %swap3A = arith.constant 0 : index
    %swap3A_14 = arith.constant 0 : index
    %swap3A_15 = vector.load %arg5[%swap3A, %swap3A_14] : memref<2000x64xf32, #tpu.memory_space<vmem>>, vector<2000x64xf32>
    tpu.vector_store %arg5[%swap3A, %swap3A_14], %add3A {strides = array<i32>} : memref<2000x64xf32, #tpu.memory_space<vmem>>, vector<2000x64xf32>,
    return
  }
  func.func @transform_0(%arg0: i32) -> (i32, i32) {
    %c0_i32 = arith.constant 0 : i32
    %c0_i32_0 = arith.constant 0 : i32
    return %arg0, %c0_i32 : i32, i32
  }
  func.func @transform_1(%arg0: i32) -> (i32, i32) {
    %c0_i32 = arith.constant 0 : i32
    %c0_i32_0 = arith.constant 0 : i32
    %c0_i32_1 = arith.constant 0 : i32
    return %c0_i32, %c0_i32_0 : i32, i32
  }
  func.func @transform_2(%arg0: i32) -> (i32, i32) {
    %c0_i32 = arith.constant 0 : i32
    %c0_i32_0 = arith.constant 0 : i32
    return %arg0, %c0_i32 : i32, i32
  }
  func.func @transform_3(%arg0: i32) -> (i32, i32) {
    %c0_i32 = arith.constant 0 : i32
    %c0_i32_0 = arith.constant 0 : i32
    %c0_i32_1 = arith.constant 0 : i32
    return %c0_i32, %c0_i32_0 : i32, i32
  }
  func.func @transform_4(%arg0: i32) -> (i32, i32) {
    %c0_i32 = arith.constant 0 : i32
    %c0_i32_0 = arith.constant 0 : i32
    return %arg0, %c0_i32 : i32, i32
  }
}

module attributes {stable_mosaic.version = 14 : i64} {
  func.func @_final_body(%arg0: i32, %arg1: memref<2000x2xf32, #tpu.memory_space<vmem>>, %arg2: memref<2000x64xf32, #tpu.memory_space<vmem>>, %arg3: memref<2000x128xf32, #tpu.memory_space<vmem>>, %arg4: memref<2000x64xf32, #tpu.memory_space<vmem>>, %arg5: memref<2000x64xf32, #tpu.memory_space<vmem>>, %arg6: memref<2000x1xf32, #tpu.memory_space<vmem>>, %arg7: memref<2000x1xf32, #tpu.memory_space<vmem>>, %arg8: memref<2000x1xf32, #tpu.memory_space<vmem>>, %arg9: memref<2000x1xf32, #tpu.memory_space<vmem>>, %arg10: memref<2x64xf32, #tpu.memory_space<vmem>>, %arg11: memref<1x64xf32, #tpu.memory_space<vmem>>, %arg12: memref<1x64xf32, #tpu.memory_space<vmem>>, %arg13: memref<2x64xf32, #tpu.memory_space<vmem>>, %arg14: memref<1x64xf32, #tpu.memory_space<vmem>>, %arg15: memref<1x64xf32, #tpu.memory_space<vmem>>, %arg16: memref<2x64xf32, #tpu.memory_space<vmem>>, %arg17: memref<64x64xf32, #tpu.memory_space<vmem>>, %arg18: memref<64x64xf32, #tpu.memory_space<vmem>>, %arg19: memref<64x64xf32, #tpu.memory_space<vmem>>, %arg20: memref<128x64xf32, #tpu.memory_space<vmem>>, %arg21: memref<1x64xf32, #tpu.memory_space<vmem>>, %arg22: memref<2000x64xf32, #tpu.memory_space<vmem>>) attributes {dimension_semantics = [#tpu.dimension_semantics<arbitrary>], iteration_bounds = array<i64: 5>, scalar_prefetch = 0 : i64, scratch_operands = 0 : i64, tpu.core_type = #tpu.core_type<tc>, window_params = [{transform_indices = @transform_0, window_bounds = array<i64: 2000, 2>}, {transform_indices = @transform_1, window_bounds = array<i64: 2000, 64>}, {transform_indices = @transform_2, window_bounds = array<i64: 2000, 128>}, {transform_indices = @transform_3, window_bounds = array<i64: 2000, 64>}, {transform_indices = @transform_4, window_bounds = array<i64: 2000, 64>}, {transform_indices = @transform_5, window_bounds = array<i64: 2000, 1>}, {transform_indices = @transform_6, window_bounds = array<i64: 2000, 1>}, {transform_indices = @transform_7, window_bounds = array<i64: 2000, 1>}, {transform_indices = @transform_8, window_bounds = array<i64: 2000, 1>}, {pipeline_mode = #tpu.pipeline_mode<synchronous>, transform_indices = @transform_9, window_bounds = array<i64: 2, 64>}, {pipeline_mode = #tpu.pipeline_mode<synchronous>, transform_indices = @transform_10, window_bounds = array<i64: 1, 64>}, {pipeline_mode = #tpu.pipeline_mode<synchronous>, transform_indices = @transform_11, window_bounds = array<i64: 1, 64>}, {pipeline_mode = #tpu.pipeline_mode<synchronous>, transform_indices = @transform_12, window_bounds = array<i64: 2, 64>}, {pipeline_mode = #tpu.pipeline_mode<synchronous>, transform_indices = @transform_13, window_bounds = array<i64: 1, 64>}, {pipeline_mode = #tpu.pipeline_mode<synchronous>, transform_indices = @transform_14, window_bounds = array<i64: 1, 64>}, {pipeline_mode = #tpu.pipeline_mode<synchronous>, transform_indices = @transform_15, window_bounds = array<i64: 2, 64>}, {pipeline_mode = #tpu.pipeline_mode<synchronous>, transform_indices = @transform_16, window_bounds = array<i64: 64, 64>}, {pipeline_mode = #tpu.pipeline_mode<synchronous>, transform_indices = @transform_17, window_bounds = array<i64: 64, 64>}, {pipeline_mode = #tpu.pipeline_mode<synchronous>, transform_indices = @transform_18, window_bounds = array<i64: 64, 64>}, {pipeline_mode = #tpu.pipeline_mode<synchronous>, transform_indices = @transform_19, window_bounds = array<i64: 128, 64>}, {pipeline_mode = #tpu.pipeline_mode<synchronous>, transform_indices = @transform_20, window_bounds = array<i64: 1, 64>}, {transform_indices = @transform_21, window_bounds = array<i64: 2000, 64>}]} {
    %get3A = arith.constant 0 : index
    %get3A_0 = arith.constant 0 : index
    %get3A_1 = vector.load %arg4[%get3A, %get3A_0] : memref<2000x64xf32, #tpu.memory_space<vmem>>, vector<2000x64xf32>
    %get3A_2 = arith.constant 0 : index
    %get3A_3 = arith.constant 0 : index
    %get3A_4 = vector.load %arg6[%get3A_2, %get3A_3] : memref<2000x1xf32, #tpu.memory_space<vmem>>, vector<2000x1xf32>
    %get3A_5 = arith.constant 0 : index
    %get3A_6 = arith.constant 0 : index
    %get3A_7 = vector.load %arg1[%get3A_5, %get3A_6] : memref<2000x2xf32, #tpu.memory_space<vmem>>, vector<2000x2xf32>
    %get3A_8 = arith.constant 0 : index
    %get3A_9 = arith.constant 0 : index
    %get3A_10 = vector.load %arg10[%get3A_8, %get3A_9] : memref<2x64xf32, #tpu.memory_space<vmem>>, vector<2x64xf32>
    %dot_general3A = arith.constant dense<0.000000e+00> : vector<2000x64xf32>
    %dot_general3A_11 = tpu.matmul %get3A_7, %get3A_10, %dot_general3A {dimension_numbers = #tpu.dot_dimension_numbers<[1], [0], [0], [1], [0, 0, 1, 1], [], []>, transpose_lhs_hint = false} : vector<2000x2xf32>, vector<2x64xf32>, vector<2000x64xf32> -> vector<2000x64xf32>
    %get3A_12 = arith.constant 0 : index
    %get3A_13 = arith.constant 0 : index
    %get3A_14 = vector.load %arg11[%get3A_12, %get3A_13] : memref<1x64xf32, #tpu.memory_space<vmem>>, vector<1x64xf32>
    %add3A = vector.broadcast %get3A_14 : vector<1x64xf32> to vector<2000x64xf32>
    %add3A_15 = arith.addf %dot_general3A_11, %add3A : vector<2000x64xf32>
    %mul3A = vector.broadcast %get3A_4 : vector<2000x1xf32> to vector<2000x64xf32>
    %mul3A_16 = arith.mulf %mul3A, %add3A_15 : vector<2000x64xf32>
    %add3A_17 = arith.addf %get3A_1, %mul3A_16 : vector<2000x64xf32>
    %get3A_18 = arith.constant 0 : index
    %get3A_19 = arith.constant 0 : index
    %get3A_20 = vector.load %arg8[%get3A_18, %get3A_19] : memref<2000x1xf32, #tpu.memory_space<vmem>>, vector<2000x1xf32>
    %get3A_21 = arith.constant 0 : index
    %get3A_22 = arith.constant 0 : index
    %get3A_23 = vector.load %arg12[%get3A_21, %get3A_22] : memref<1x64xf32, #tpu.memory_space<vmem>>, vector<1x64xf32>
    %mul3A_24 = vector.broadcast %get3A_20 : vector<2000x1xf32> to vector<2000x64xf32>
    %mul3A_25 = vector.broadcast %get3A_23 : vector<1x64xf32> to vector<2000x64xf32>
    %mul3A_26 = arith.mulf %mul3A_24, %mul3A_25 : vector<2000x64xf32>
    %add3A_27 = arith.addf %add3A_17, %mul3A_26 : vector<2000x64xf32>
    %get3A_28 = arith.constant 0 : index
    %get3A_29 = arith.constant 0 : index
    %get3A_30 = vector.load %arg5[%get3A_28, %get3A_29] : memref<2000x64xf32, #tpu.memory_space<vmem>>, vector<2000x64xf32>
    %get3A_31 = arith.constant 0 : index
    %get3A_32 = arith.constant 0 : index
    %get3A_33 = vector.load %arg7[%get3A_31, %get3A_32] : memref<2000x1xf32, #tpu.memory_space<vmem>>, vector<2000x1xf32>
    %get3A_34 = arith.constant 0 : index
    %get3A_35 = arith.constant 0 : index
    %get3A_36 = vector.load %arg1[%get3A_34, %get3A_35] : memref<2000x2xf32, #tpu.memory_space<vmem>>, vector<2000x2xf32>
    %get3A_37 = arith.constant 0 : index
    %get3A_38 = arith.constant 0 : index
    %get3A_39 = vector.load %arg13[%get3A_37, %get3A_38] : memref<2x64xf32, #tpu.memory_space<vmem>>, vector<2x64xf32>
    %dot_general3A_40 = arith.constant dense<0.000000e+00> : vector<2000x64xf32>
    %dot_general3A_41 = tpu.matmul %get3A_36, %get3A_39, %dot_general3A_40 {dimension_numbers = #tpu.dot_dimension_numbers<[1], [0], [0], [1], [0, 0, 1, 1], [], []>, transpose_lhs_hint = false} : vector<2000x2xf32>, vector<2x64xf32>, vector<2000x64xf32> -> vector<2000x64xf32>
    %get3A_42 = arith.constant 0 : index
    %get3A_43 = arith.constant 0 : index
    %get3A_44 = vector.load %arg14[%get3A_42, %get3A_43] : memref<1x64xf32, #tpu.memory_space<vmem>>, vector<1x64xf32>
    %add3A_45 = vector.broadcast %get3A_44 : vector<1x64xf32> to vector<2000x64xf32>
    %add3A_46 = arith.addf %dot_general3A_41, %add3A_45 : vector<2000x64xf32>
    %mul3A_47 = vector.broadcast %get3A_33 : vector<2000x1xf32> to vector<2000x64xf32>
    %mul3A_48 = arith.mulf %mul3A_47, %add3A_46 : vector<2000x64xf32>
    %add3A_49 = arith.addf %get3A_30, %mul3A_48 : vector<2000x64xf32>
    %get3A_50 = arith.constant 0 : index
    %get3A_51 = arith.constant 0 : index
    %get3A_52 = vector.load %arg9[%get3A_50, %get3A_51] : memref<2000x1xf32, #tpu.memory_space<vmem>>, vector<2000x1xf32>
    %get3A_53 = arith.constant 0 : index
    %get3A_54 = arith.constant 0 : index
    %get3A_55 = vector.load %arg15[%get3A_53, %get3A_54] : memref<1x64xf32, #tpu.memory_space<vmem>>, vector<1x64xf32>
    %mul3A_56 = vector.broadcast %get3A_52 : vector<2000x1xf32> to vector<2000x64xf32>
    %mul3A_57 = vector.broadcast %get3A_55 : vector<1x64xf32> to vector<2000x64xf32>
    %mul3A_58 = arith.mulf %mul3A_56, %mul3A_57 : vector<2000x64xf32>
    %add3A_59 = arith.addf %add3A_49, %mul3A_58 : vector<2000x64xf32>
    %get3A_60 = arith.constant 0 : index
    %get3A_61 = arith.constant 0 : index
    %get3A_62 = vector.load %arg7[%get3A_60, %get3A_61] : memref<2000x1xf32, #tpu.memory_space<vmem>>, vector<2000x1xf32>
    %max3A = arith.constant 1.000000e+00 : f32
    %max3A_63 = vector.broadcast %max3A : f32 to vector<2000x1xf32>
    %max3A_64 = arith.maximumf %get3A_62, %max3A_63 : vector<2000x1xf32>
    %div3A = vector.broadcast %max3A_64 : vector<2000x1xf32> to vector<2000x64xf32>
    %div3A_65 = arith.divf %add3A_59, %div3A : vector<2000x64xf32>
    %get3A_66 = arith.constant 0 : index
    %get3A_67 = arith.constant 0 : index
    %get3A_68 = vector.load %arg1[%get3A_66, %get3A_67] : memref<2000x2xf32, #tpu.memory_space<vmem>>, vector<2000x2xf32>
    %get3A_69 = arith.constant 0 : index
    %get3A_70 = arith.constant 0 : index
    %get3A_71 = vector.load %arg16[%get3A_69, %get3A_70] : memref<2x64xf32, #tpu.memory_space<vmem>>, vector<2x64xf32>
    %dot_general3A_72 = arith.constant dense<0.000000e+00> : vector<2000x64xf32>
    %dot_general3A_73 = tpu.matmul %get3A_68, %get3A_71, %dot_general3A_72 {dimension_numbers = #tpu.dot_dimension_numbers<[1], [0], [0], [1], [0, 0, 1, 1], [], []>, transpose_lhs_hint = false} : vector<2000x2xf32>, vector<2x64xf32>, vector<2000x64xf32> -> vector<2000x64xf32>
    %get3A_74 = arith.constant 0 : index
    %get3A_75 = arith.constant 0 : index
    %get3A_76 = vector.load %arg2[%get3A_74, %get3A_75] : memref<2000x64xf32, #tpu.memory_space<vmem>>, vector<2000x64xf32>
    %get3A_77 = arith.constant 0 : index
    %get3A_78 = arith.constant 0 : index
    %get3A_79 = vector.load %arg17[%get3A_77, %get3A_78] : memref<64x64xf32, #tpu.memory_space<vmem>>, vector<64x64xf32>
    %dot_general3A_80 = arith.constant dense<0.000000e+00> : vector<2000x64xf32>
    %dot_general3A_81 = tpu.matmul %get3A_76, %get3A_79, %dot_general3A_80 {dimension_numbers = #tpu.dot_dimension_numbers<[1], [0], [0], [1], [0, 0, 1, 1], [], []>, transpose_lhs_hint = false} : vector<2000x64xf32>, vector<64x64xf32>, vector<2000x64xf32> -> vector<2000x64xf32>
    %add3A_82 = arith.addf %dot_general3A_73, %dot_general3A_81 : vector<2000x64xf32>
    %get3A_83 = arith.constant 0 : index
    %get3A_84 = arith.constant 0 : index
    %get3A_85 = vector.load %arg18[%get3A_83, %get3A_84] : memref<64x64xf32, #tpu.memory_space<vmem>>, vector<64x64xf32>
    %dot_general3A_86 = arith.constant dense<0.000000e+00> : vector<2000x64xf32>
    %dot_general3A_87 = tpu.matmul %add3A_27, %get3A_85, %dot_general3A_86 {dimension_numbers = #tpu.dot_dimension_numbers<[1], [0], [0], [1], [0, 0, 1, 1], [], []>, transpose_lhs_hint = false} : vector<2000x64xf32>, vector<64x64xf32>, vector<2000x64xf32> -> vector<2000x64xf32>
    %add3A_88 = arith.addf %add3A_82, %dot_general3A_87 : vector<2000x64xf32>
    %get3A_89 = arith.constant 0 : index
    %get3A_90 = arith.constant 0 : index
    %get3A_91 = vector.load %arg19[%get3A_89, %get3A_90] : memref<64x64xf32, #tpu.memory_space<vmem>>, vector<64x64xf32>
    %dot_general3A_92 = arith.constant dense<0.000000e+00> : vector<2000x64xf32>
    %dot_general3A_93 = tpu.matmul %div3A_65, %get3A_91, %dot_general3A_92 {dimension_numbers = #tpu.dot_dimension_numbers<[1], [0], [0], [1], [0, 0, 1, 1], [], []>, transpose_lhs_hint = false} : vector<2000x64xf32>, vector<64x64xf32>, vector<2000x64xf32> -> vector<2000x64xf32>
    %add3A_94 = arith.addf %add3A_88, %dot_general3A_93 : vector<2000x64xf32>
    %get3A_95 = arith.constant 0 : index
    %get3A_96 = arith.constant 0 : index
    %get3A_97 = vector.load %arg3[%get3A_95, %get3A_96] : memref<2000x128xf32, #tpu.memory_space<vmem>>, vector<2000x128xf32>
    %get3A_98 = arith.constant 0 : index
    %get3A_99 = arith.constant 0 : index
    %get3A_100 = vector.load %arg20[%get3A_98, %get3A_99] : memref<128x64xf32, #tpu.memory_space<vmem>>, vector<128x64xf32>
    %dot_general3A_101 = arith.constant dense<0.000000e+00> : vector<2000x64xf32>
    %dot_general3A_102 = tpu.matmul %get3A_97, %get3A_100, %dot_general3A_101 {dimension_numbers = #tpu.dot_dimension_numbers<[1], [0], [0], [1], [0, 0, 1, 1], [], []>, transpose_lhs_hint = false} : vector<2000x128xf32>, vector<128x64xf32>, vector<2000x64xf32> -> vector<2000x64xf32>
    %add3A_103 = arith.addf %add3A_94, %dot_general3A_102 : vector<2000x64xf32>
    %get3A_104 = arith.constant 0 : index
    %get3A_105 = arith.constant 0 : index
    %get3A_106 = vector.load %arg21[%get3A_104, %get3A_105] : memref<1x64xf32, #tpu.memory_space<vmem>>, vector<1x64xf32>
    %add3A_107 = vector.broadcast %get3A_106 : vector<1x64xf32> to vector<2000x64xf32>
    %add3A_108 = arith.addf %add3A_103, %add3A_107 : vector<2000x64xf32>
    %swap3A = arith.constant 0 : index
    %swap3A_109 = arith.constant 0 : index
    %swap3A_110 = vector.load %arg22[%swap3A, %swap3A_109] : memref<2000x64xf32, #tpu.memory_space<vmem>>, vector<2000x64xf32>
    tpu.vector_store %arg22[%swap3A, %swap3A_109], %add3A_108 {strides = array<i32>} : memref<2000x64xf32, #tpu.memory_space<vmem>>, vector<2000x64xf32>,
    return
  }
  func.func @transform_0(%arg0: i32) -> (i32, i32) {
    %c0_i32 = arith.constant 0 : i32
    %c0_i32_0 = arith.constant 0 : i32
    return %arg0, %c0_i32 : i32, i32
  }
  func.func @transform_1(%arg0: i32) -> (i32, i32) {
    %c0_i32 = arith.constant 0 : i32
    %c0_i32_0 = arith.constant 0 : i32
    return %arg0, %c0_i32 : i32, i32
  }
  func.func @transform_2(%arg0: i32) -> (i32, i32) {
    %c0_i32 = arith.constant 0 : i32
    %c0_i32_0 = arith.constant 0 : i32
    return %arg0, %c0_i32 : i32, i32
  }
  func.func @transform_3(%arg0: i32) -> (i32, i32) {
    %c0_i32 = arith.constant 0 : i32
    %c0_i32_0 = arith.constant 0 : i32
    return %arg0, %c0_i32 : i32, i32
  }
  func.func @transform_4(%arg0: i32) -> (i32, i32) {
    %add3A = arith.constant 5 : i32
    %add3A_0 = arith.addi %arg0, %add3A : i32
    %c0_i32 = arith.constant 0 : i32
    %c0_i32_1 = arith.constant 0 : i32
    return %add3A_0, %c0_i32 : i32, i32
  }
  func.func @transform_5(%arg0: i32) -> (i32, i32) {
    %c0_i32 = arith.constant 0 : i32
    %c0_i32_0 = arith.constant 0 : i32
    return %arg0, %c0_i32 : i32, i32
  }
  func.func @transform_6(%arg0: i32) -> (i32, i32) {
    %add3A = arith.constant 5 : i32
    %add3A_0 = arith.addi %arg0, %add3A : i32
    %c0_i32 = arith.constant 0 : i32
    %c0_i32_1 = arith.constant 0 : i32
    return %add3A_0, %c0_i32 : i32, i32
  }
  func.func @transform_7(%arg0: i32) -> (i32, i32) {
    %c0_i32 = arith.constant 0 : i32
    %c0_i32_0 = arith.constant 0 : i32
    return %arg0, %c0_i32 : i32, i32
  }
  func.func @transform_8(%arg0: i32) -> (i32, i32) {
    %add3A = arith.constant 5 : i32
    %add3A_0 = arith.addi %arg0, %add3A : i32
    %c0_i32 = arith.constant 0 : i32
    %c0_i32_1 = arith.constant 0 : i32
    return %add3A_0, %c0_i32 : i32, i32
  }
  func.func @transform_9(%arg0: i32) -> (i32, i32) {
    %c0_i32 = arith.constant 0 : i32
    %c0_i32_0 = arith.constant 0 : i32
    %c0_i32_1 = arith.constant 0 : i32
    return %c0_i32, %c0_i32_0 : i32, i32
  }
  func.func @transform_10(%arg0: i32) -> (i32, i32) {
    %c0_i32 = arith.constant 0 : i32
    %c0_i32_0 = arith.constant 0 : i32
    %c0_i32_1 = arith.constant 0 : i32
    return %c0_i32, %c0_i32_0 : i32, i32
  }
  func.func @transform_11(%arg0: i32) -> (i32, i32) {
    %c0_i32 = arith.constant 0 : i32
    %c0_i32_0 = arith.constant 0 : i32
    %c0_i32_1 = arith.constant 0 : i32
    return %c0_i32, %c0_i32_0 : i32, i32
  }
  func.func @transform_12(%arg0: i32) -> (i32, i32) {
    %c0_i32 = arith.constant 0 : i32
    %c0_i32_0 = arith.constant 0 : i32
    %c0_i32_1 = arith.constant 0 : i32
    return %c0_i32, %c0_i32_0 : i32, i32
  }
  func.func @transform_13(%arg0: i32) -> (i32, i32) {
    %c0_i32 = arith.constant 0 : i32
    %c0_i32_0 = arith.constant 0 : i32
    %c0_i32_1 = arith.constant 0 : i32
    return %c0_i32, %c0_i32_0 : i32, i32
  }
  func.func @transform_14(%arg0: i32) -> (i32, i32) {
    %c0_i32 = arith.constant 0 : i32
    %c0_i32_0 = arith.constant 0 : i32
    %c0_i32_1 = arith.constant 0 : i32
    return %c0_i32, %c0_i32_0 : i32, i32
  }
  func.func @transform_15(%arg0: i32) -> (i32, i32) {
    %c0_i32 = arith.constant 0 : i32
    %c0_i32_0 = arith.constant 0 : i32
    %c0_i32_1 = arith.constant 0 : i32
    return %c0_i32, %c0_i32_0 : i32, i32
  }
  func.func @transform_16(%arg0: i32) -> (i32, i32) {
    %c0_i32 = arith.constant 0 : i32
    %c0_i32_0 = arith.constant 0 : i32
    %c0_i32_1 = arith.constant 0 : i32
    return %c0_i32, %c0_i32_0 : i32, i32
  }
  func.func @transform_17(%arg0: i32) -> (i32, i32) {
    %c0_i32 = arith.constant 0 : i32
    %c0_i32_0 = arith.constant 0 : i32
    %c0_i32_1 = arith.constant 0 : i32
    return %c0_i32, %c0_i32_0 : i32, i32
  }
  func.func @transform_18(%arg0: i32) -> (i32, i32) {
    %c0_i32 = arith.constant 0 : i32
    %c0_i32_0 = arith.constant 0 : i32
    %c0_i32_1 = arith.constant 0 : i32
    return %c0_i32, %c0_i32_0 : i32, i32
  }
  func.func @transform_19(%arg0: i32) -> (i32, i32) {
    %c0_i32 = arith.constant 0 : i32
    %c0_i32_0 = arith.constant 0 : i32
    %c0_i32_1 = arith.constant 0 : i32
    return %c0_i32, %c0_i32_0 : i32, i32
  }
  func.func @transform_20(%arg0: i32) -> (i32, i32) {
    %c0_i32 = arith.constant 0 : i32
    %c0_i32_0 = arith.constant 0 : i32
    %c0_i32_1 = arith.constant 0 : i32
    return %c0_i32, %c0_i32_0 : i32, i32
  }
  func.func @transform_21(%arg0: i32) -> (i32, i32) {
    %c0_i32 = arith.constant 0 : i32
    %c0_i32_0 = arith.constant 0 : i32
    return %arg0, %c0_i32 : i32, i32
  }
}

</mosaic_0001>

<sc_bundles>
// kernel: kernel.6.cloned.1.call-start
scs
__scs_entry_jumppad:
0x0: {  	(pc) =	sbr.rel $0x88, $3  }
0x1: {  	(tag) =	ssettag $0x0;
	lr =	simm.s32 $0x1  }
0x2: {  	[smem:$0x3F92] =	sst lr;
	_ =	strace $0xD0000000  }
0x3: {  	_ = 	snop  }
0x4: {  	_ = 	snop  }
0x5: {  	_ = 	snop  }
0x6: {  	_ = 	snop  }
0x7: {  	_ = 	snop  }
__scs_overlays_trampoline_lowered:
0x8: {  	[smem:$0x3FA1] =	sst s0  }
0x9: {  	[smem:$0x3FA2] =	sst s1  }
0xa: {  	[smem:$0x3FA3] =	sst s2  }
0xb: {  	[smem:$0x3FA4] =	sst s3  }
0xc: {  	[smem:$0x3FA5] =	sst s4  }
0xd: {  	[smem:$0x3FA6] =	sst s5  }
0xe: {  	[smem:$0x3FA7] =	sst s6  }
0xf: {  	[smem:$0x3FA8] =	sst s7  }
0x10: {  	[smem:$0x3FA9] =	sst s8  }
0x11: {  	[smem:$0x3FAA] =	sst s9;
	s0 =	simm.s32 @!p0 $0x0  }
0x12: {  	s1 =	sld [smem:$0x3F90];
	s0 =	simm.s32 @p0 $0x1  }
0x13: {  	[smem:$0x3FAB] =	sst s0;
	s0 =	simm.s32 @!p1 $0x0  }
0x14: {  	s2 =	sld [smem:$0x3F8F];
	s0 =	simm.s32 @p1 $0x1  }
0x15: {  	[smem:$0x3FAC] =	sst s0;
	s0 =	simm.s32 @!p2 $0x0  }
0x16: {  	s3 =	sld [smem:$0x3FDB];
	s0 =	simm.s32 @p2 $0x1  }
0x17: {  	s4 =	simm.s32 $0x1BF5;
	[smem:$0x3FAE] =	sst s0  }
0x18: {  	s0 =	sld [smem:$0x3F91];
	_ =	swait.ge [sflag:s4], $0x0  }
0x19: {  	s7 =	sld [smem:$0x3F92]  }
0x1a: {  	s8 =	sadd.s32 $0xFFFFE003, lr  }
0x1b: {  	s9 =	sadd.s32 $0xFFFFFEF7, lr;
	s5 =	simm.s32 $0xFFFFFFFF;
	p2 =	slt.u32 s8, $0xFFFFF086  }
0x1c: {  	p1 =	slt.u32 s9, $0xF7A;
	s5 =	simm.s32 @!p2 $0x0  }
0x1d: {  	s5 =	simm.s32 @p1 $0x1;
	p0 =	seq.s32 s7, s2  }
0x1e: {  	s7 =	smul.u32 @!p0 $0xF7A, s2;
	p2 =	seq.s32 @!p0 s5, $0x0  }
0x1f: {  	s9 =	smul.u32 $0xF7A, s1;
	s8 =	simm.s32 @!p0 $0x1BF5;
	p2 =	por !p2, p0  }
0x20: {  	[sflag:s8] =	ssyncset.s32 @!p0 $0xFFFFF086;
	s6 =	sadd.s32 @!p0 s3, s7;
	s7 =	simm.s32 @!p0 $0x108  }
0x21: {  	s3 =	sadd.s32 s3, s9;
	s6 =	sadd.s32 @!p0 $0x88, s6;
	s7 =	simm.s32 @p2 $0x1082  }
0x22: {  	[simem:s7], [sflag:s8] =	dma.local @!p0 [hbm:s6], $0xF7A  }
0x23: {  	s9 =	sor.u32 $0xD0000000, s2;
	s6 =	simm.s32 $0x108;
	_ =	swait.ge @!p0 [sflag:s8], $0x0  }
0x24: {  	s3 =	sadd.s32 $0x88, s3;
	s6 =	simm.s32 @!p1 $0x1082;
	[sflag:s4] =	ssyncset.s32 $0xFFFFF086  }
0x25: {  	[simem:s6], [sflag:s4] =	dma.local [hbm:s3], $0xF7A  }
0x26: {  	[smem:$0x3F92] =	sst s1;
	(tag) =	ssettag s2;
	_ =	strace s9  }
0x27: {  	s1 =	sld [smem:$0x3FA2]  }
0x28: {  	s2 =	sld [smem:$0x3FA3]  }
0x29: {  	s4 =	sld [smem:$0x3FA5]  }
0x2a: {  	p0 =	seq.s32 s5, $0x0;
	s5 =	sld [smem:$0x3FA6]  }
0x2b: {  	s6 =	sld [smem:$0x3FA7]  }
0x2c: {  	s7 =	sld [smem:$0x3FA8]  }
0x2d: {  	s3 =	simm.s32 $0x108;
	s8 =	sld [smem:$0x3FA9]  }
0x2e: {  	s3 =	simm.s32 @!p0 $0x1082;
	s9 =	sld [smem:$0x3FAA]  }
0x2f: {  	lr =	sadd.s32 s0, s3;
	s0 =	sld [smem:$0x3FA1]  }
0x30: {  	s3 =	sld [smem:$0x3FA4]  }
0x31: {  	[smem:$0x3FAD] =	sst s10  }
0x32: {  	s10 =	sld [smem:$0x3FAB];
	_ =	sdelay $0x3  }
0x33: {  	p0 =	seq.s32 s10, $0x1;
	s10 =	sld [smem:$0x3FAD];
	_ =	sdelay $0x3  }
0x34: {  	[smem:$0x3FAD] =	sst s10  }
0x35: {  	s10 =	sld [smem:$0x3FAC];
	_ =	sdelay $0x3  }
0x36: {  	p1 =	seq.s32 s10, $0x1;
	s10 =	sld [smem:$0x3FAD];
	_ =	sdelay $0x3  }
0x37: {  	[smem:$0x3FAD] =	sst s10  }
0x38: {  	s10 =	sld [smem:$0x3FAE]  }
0x39: {  	_ = 	snop;
	(pc) =	sbr.ind lr, $3  }
0x3a: {  	_ = 	snop  }
0x3b: {  	_ = 	snop  }
0x3c: {  	p2 =	seq.s32 s10, $0x1;
	s10 =	sld [smem:$0x3FAD]  }
0x3d: {  	_ =	shalt  }
0x3e: {  	_ =	shalt  }
0x3f: {  	_ =	shalt  }
0x40: {  	_ =	shalt  }
0x41: {  	_ =	shalt  }
0x42: {  	_ =	shalt  }
0x43: {  	_ =	shalt  }
0x44: {  	_ =	shalt  }
0x45: {  	_ =	shalt  }
0x46: {  	_ =	shalt  }
0x47: {  	_ =	shalt  }
0x48: {  	_ =	shalt  }
0x49: {  	_ =	shalt  }
0x4a: {  	_ =	shalt  }
0x4b: {  	_ =	shalt  }
0x4c: {  	_ =	shalt  }
0x4d: {  	_ =	shalt  }
0x4e: {  	_ =	shalt  }
0x4f: {  	_ =	shalt  }
0x50: {  	_ =	shalt  }
0x51: {  	_ =	shalt  }
0x52: {  	_ =	shalt  }
0x53: {  	_ =	shalt  }
0x54: {  	_ =	shalt  }
0x55: {  	_ =	shalt  }
0x56: {  	_ =	shalt  }
0x57: {  	_ =	shalt  }
0x58: {  	_ =	shalt  }
0x59: {  	_ =	shalt  }
0x5a: {  	_ =	shalt  }
0x5b: {  	_ =	shalt  }
0x5c: {  	_ =	shalt  }
0x5d: {  	_ =	shalt  }
0x5e: {  	_ =	shalt  }
0x5f: {  	_ =	shalt  }
0x60: {  	_ =	shalt  }
0x61: {  	_ =	shalt  }
0x62: {  	_ =	shalt  }
0x63: {  	_ =	shalt  }
0x64: {  	_ =	shalt  }
0x65: {  	_ =	shalt  }
0x66: {  	_ =	shalt  }
0x67: {  	_ =	shalt  }
0x68: {  	_ =	shalt  }
0x69: {  	_ =	shalt  }
0x6a: {  	_ =	shalt  }
0x6b: {  	_ =	shalt  }
0x6c: {  	_ =	shalt  }
0x6d: {  	_ =	shalt  }
0x6e: {  	_ =	shalt  }
0x6f: {  	_ =	shalt  }
0x70: {  	_ =	shalt  }
0x71: {  	_ =	shalt  }
0x72: {  	_ =	shalt  }
0x73: {  	_ =	shalt  }
0x74: {  	_ =	shalt  }
0x75: {  	_ =	shalt  }
0x76: {  	_ =	shalt  }
0x77: {  	_ =	shalt  }
0x78: {  	_ =	shalt  }
0x79: {  	_ =	shalt  }
0x7a: {  	_ =	shalt  }
0x7b: {  	_ =	shalt  }
0x7c: {  	_ =	shalt  }
0x7d: {  	_ =	shalt  }
0x7e: {  	_ =	shalt  }
0x7f: {  	_ =	shalt  }
0x80: {  	_ =	shalt  }
0x81: {  	_ =	shalt  }
0x82: {  	_ =	shalt  }
0x83: {  	_ =	shalt  }
0x84: {  	_ =	shalt  }
0x85: {  	_ =	shalt  }
0x86: {  	_ =	shalt  }
0x87: {  	_ =	shalt  }
.Lfunc_end0:
.L_simem_size_0:
called_computation_lowered:
.L_overlay_start_0:
0x88: {  	s2 =	sld [smem:$0x3FD9]  }
0x89: {  	s3 =	sld [smem:$0x3FFE];
	_ =	sdelay $0x1  }
0x8a: {  	s1 =	srdreg.scid  }
0x8b: {  	s0 =	sand.u32 $0x1, s1  }
0x8c: {  	s17 =	sshll.u32 s0, $0xA;
	s2 =	sadd.s32 s3, s2  }
0x8d: {  	s2 =	sadd.s32 s2, s17  }
0x8e: {  	[smem:$0x3FB9] =	sst s2  }
0x8f: {  	_ = 	snop  }
0x90: {  	s2 =	sld [smem:$0x3FD0];
	(tm) =	ssettm $0x1  }
0x91: {  	s18 =	sld [smem:$0x3FFB];
	_ =	sdelay $0x3  }
0x92: {  	_ =	strace s18  }
0x93: {  	s3 =	sld [smem:$0x3FFC];
	_ =	sdelay $0x3  }
0x94: {  	_ =	strace s3  }
0x95: {  	s3 =	sld [smem:$0x3FFD];
	_ =	sdelay $0x3  }
0x96: {  	_ =	strace s3  }
0x97: {  	_ =	strace $0x8FFFFFFF  }
0x98: {  	s19 =	sld [smem:$0x3FDB];
	_ =	sdelay $0x1  }
0x99: {  	s4 =	simm.s32 $_scs_section_size  }
0x9a: {  	s5 =	simm.s32 $_size__tile_overlayer_lowered;
	s6 =	simm.s32 $_tile_overlayer_lowered  }
0x9b: {  	s22 =	simm.s32 $0x1BFF;
	s21 =	sshll.u32 s6, $0x1;
	s3 =	sadd.s32 s4, s19  }
0x9c: {  	s7 =	simm.s32 $0x0;
	s20 =	sshll.u32 s5, $0x1;
	s5 =	sadd.s32 s21, s3  }
0x9d: {  	[timem:s7], [sflag:s22] =	dma.local [hbm:s5], s20  }
0x9e: {  	_ =	swait.ge [sflag:s22], s20  }
0x9f: {  	s4 =	ssub.s32 $0x0, s20;
	[sflag:s22] =	ssyncset.done $0x0  }
0xa0: {  	[sflag:s22] =	ssyncadd.s32 s4;
	_ =	sdelay $0x1  }
0xa1: {  	s23 =	simm.s32 $0x1B8B  }
0xa2: {  	_ =	swait.ge [sflag:s23], $0x1  }
0xa3: {  	[sflag:s23] =	ssyncset.done $0x0  }
0xa4: {  	s25 =	simm.s32 $0x1B8E;
	s24 =	sld [smem:$0x3FFE];
	[sflag:s23] =	ssyncadd.s32 $0xFFFFFFFF  }
0xa5: {  	s26 =	simm.s32 $execute0_lowered;
	[smem:$0x3FD2] =	sst s25  }
0xa6: {  	s5 =	sshll.u32 s26, $0x1;
	_ =	strace $0x80000046;
	[dreg:$0x1] =	wrdreg $0xFFFFFFFF  }
0xa7: {  	s28 =	simm.s32 $_size_execute0_lowered;
	s3 =	sadd.s32 s3, s5;
	[dreg:$0x0] =	wrdreg $0x0  }
0xa8: {  	s5 =	sshll.u32 s28, $0x1;
	[dreg:$0x2] =	wrdreg s3  }
0xa9: {  	[dreg:$0x3] =	wrdreg s5  }
0xaa: {  	[dreg:$0x4] =	wrdreg $0xC0  }
0xab: {  	_ =	task [dreg:s7], $0x5FFFF  }
0xac: {  	[dreg:$0x1] =	wrdreg $0xFFFFFFFF  }
0xad: {  	[dreg:$0x0] =	wrdreg $0x60  }
0xae: {  	[dreg:$0x2] =	wrdreg s2  }
0xaf: {  	[dreg:$0x3] =	wrdreg s24  }
0xb0: {  	[dreg:$0x4] =	wrdreg $0x151800  }
0xb1: {  	[dreg:$0x5] =	wrdreg $0x1F1800  }
0xb2: {  	[dreg:$0x6] =	wrdreg $0x1F4000  }
0xb3: {  	[dreg:$0x7] =	wrdreg $0x9  }
0xb4: {  	_ =	task.clear_ibuf [dreg:s7], $0x8FFFF;
	_ =	strace $0x90000046  }
0xb5: {  	s29 =	simm.s32 $0x9;
	_ =	strace $0x80000048  }
0xb6: {  	_ =	swait.ge [sflag:s29], $0x1  }
0xb7: {  	[sflag:s29] =	ssyncadd.s32 $0xFFFFFFFF  }
0xb8: {  	_ =	strace $0x90000048  }
0xb9: {  	_ =	sfence  }
0xba: {  	s30 =	sld [smem:$0x0];
	_ =	sdelay $0x2  }
0xbb: {  	s31 =	sshll.u32 s1, $0xD;
	s1 =	sshrl.u32 s1, $0x2  }
0xbc: {  	s3 =	sand.u32 $0x4000, s31;
	s1 =	sadd.s32 s1, s30  }
0xbd: {  	s0 =	sor.u32 s3, s0;
	s1 =	sshll.u32 s1, $0x11  }
0xbe: {  	s0 =	sor.u32 s1, s0  }
0xbf: {  	s0 =	sadd.s32 $0x8F2B, s0  }
0xc0: {  	[sflag:s0] =	ssyncadd.remote.s32 $0x1  }
0xc1: {  	_ =	sfence.sel $0xFFFF  }
0xc2: {  	[dreg:$0x0] =	wrdreg $0xFFFFFFFF;
	(pc) =	sbr.abs _section_cstart, $3  }
0xc3: {  	[dreg:$0x1] =	wrdreg $0xFFFFFFFF  }
0xc4: {  	_ =	task.clear_ibuf [dreg:s7], $0x2FFFF;
	_ =	strace $0x9FFFFFFF  }
0xc5: {  	(tm) =	ssettm $0x7FFFFFFF  }
tec
execute0_lowered:
.L_overlay_start_1:
0x0: {  	(tag) =	ssettag $0x1  }
0x1: {  	s17 =	rddreg [dreg:$0x0]  }
0x2: {  	s0 =	rddreg [dreg:$0x1]  }
0x3: {  	s2 =	rddreg [dreg:$0x2]  }
0x4: {  	s4 =	rddreg [dreg:$0x3]  }
0x5: {  	s5 =	rddreg [dreg:$0x4];
	s1 =	srdreg.scid  }
0x6: {  	s21 =	stileid.u32;
	s6 =	simm.s32 $0x0;
	s29 =	simm.s32 $0xF00  }
0x7: {  	s30 =	simm.s32 $0x3;
	s1 =	sand.u32 $0x1, s1;
	s3 =	smul.u32 $0x280, s21  }
0x8: {  	[smem:$0x7FF] =	sst s6;
	s8 =	sadd.s32 $0x16800, s0;
	s12 =	smul.u32 $0x4E20, s21  }
0x9: {  	s9 =	sadd.s32 $0x2A200, s0;
	s10 =	sadd.s32 $0x2C00, s0;
	s20 =	smul.u32 $0x9C4, s21  }
0xa: {  	s16 =	sadd.s32 $0xCA00, s0;
	s7 =	smul.u32 $0x2710, s1;
	s11 =	ssub.s32 $0x2, s1  }
0xb: {  	p1 =	seq.s32 s1, $0x0;
	s19 =	smov.u32 s16;
	p0 =	sne.s32 s1, $0x0  }
0xc: {  	s13 =	sshrl.u32 s11, $0x1;
	s12 =	sshrl.u32 s12, $0x3;
	s19 =	smov.u32 @p1 s10  }
0xd: {  	s1 =	sadd.s32 s3, s4;
	s7 =	sadd.s32 s3, s7;
	s11 =	ssub.s32 s11, s13  }
0xe: {  	s13 =	smov.u32 s9;
	s14 =	sadd.s32 $0x50, s12;
	s15 =	sadd.s32 $0x9B0, s12  }
0xf: {  	s3 =	sadd.s32 s3, s5;
	s18 =	sshll.u32 s7, $0x3;
	s13 =	smov.u32 @p1 s8  }
0x10: {  	s25 =	sadd.s32 s19, s14;
	s31 =	sadd.s32 s19, s15;
	s7 =	sshrl.u32 s7, $0x3  }
0x11: {  	s23 =	sadd.s32 s13, s12;
	s12 =	sadd.s32 s19, s12;
	[dreg:$0x9] =	wrdreg s25  }
0x12: {  	s24 =	sadd.s32 s13, s14;
	s26 =	sadd.s32 s13, s15;
	[dreg:$0xb] =	wrdreg s31  }
0x13: {  	s13 =	sadd.s32 s20, s13;
	s14 =	sadd.s32 s20, s9;
	s15 =	sadd.s32 s20, s8  }
0x14: {  	s9 =	sadd.s32 s20, s16;
	s25 =	smul.u32 $0x28000, s21;
	[dreg:$0x7] =	wrdreg s12  }
0x15: {  	s7 =	sadd.s32 s7, s0;
	s16 =	sadd.s32 $0x3DC00, s0;
	[dreg:$0x8] =	wrdreg s24  }
0x16: {  	s8 =	simm.s32 $0xA00;
	[dreg:$0xa] =	wrdreg s26;
	s12 =	sadd.s32 s20, s19  }
0x17: {  	s24 =	sadd.s32 s20, s10;
	s26 =	sadd.s32 s18, s0;
	s18 =	sadd.s32 $0x78800, s7  }
0x18: {  	s22 =	smov.u32 s16;
	_ =	strace $0x80000047;
	[dreg:$0xd] =	wrdreg s1  }
0x19: {  	s19 =	sadd.s32 $0x79200, s7;
	s20 =	smax.u32 s11, $0x1;
	[dreg:$0xe] =	wrdreg s3  }
0x1a: {  	s11 =	simm.s32 $0x280;
	s7 =	simm.s32 $0x2;
	[dreg:$0x10] =	wrdreg s18  }
0x1b: {  	s31 =	sshrl.u32 s25, $0x2;
	s10 =	sadd.s32 $0x51600, s26;
	[dreg:$0x11] =	wrdreg s19  }
0x1c: {  	[dreg:$0x12] =	wrdreg s20;
	s22 =	smov.u32 @p1 s17;
	s25 =	sadd.s32 $0xF0, s12  }
0x1d: {  	s26 =	sadd.s32 $0xA0, s9;
	s28 =	sadd.s32 $0xA0, s24;
	p1 =	seq.s32 s21, $0xF  }
0x1e: {  	s21 =	sadd.s32 $0x9C40, s23;
	s24 =	sadd.s32 $0x9C90, s23;
	[dreg:$0x6] =	wrdreg s23  }
.Ltmp0:
0x1f: {  	s9 =	simm.s32 $0x500;
	[dreg:$0xf] =	wrdreg s10;
	(pc) =	sbr.rel .LBB2_1-.Ltmp0, $4  }
0x20: {  	s12 =	simm.s32 $0x780;
	s20 =	simm.s32 $0xC80;
	[dreg:$0x13] =	wrdreg s21  }
0x21: {  	s0 =	sadd.s32 s31, s2;
	[dreg:$0x14] =	wrdreg s24;
	s31 =	sadd.s32 $0xA5F0, s23  }
0x22: {  	s10 =	simm.s32 $0x1;
	s24 =	simm.s32 $0xB180;
	[dreg:$0xc] =	wrdreg s0  }
0x23: {  	v0 =	vimm.f32 $1.000000000e+00;
	v1 =	vimm.f32 $0.0e+00;
	s21 =	simm.s32 $0x0;
	[dreg:$0x15] =	wrdreg s31;
	s0 =	simm.s32 $0x1180  }
.LBB2_10:
0x24: {  	s1 =	rddreg [dreg:$0xa]  }
0x25: {  	[tilespmem:s6], [sflag:$0x1] =	stream.linear.gather [hbm4b:s1+s6], $0xA0, $0x38;
	[tilespmem:$0x1F680] =	vst v63  }
0x26: {  	s20 =	rddreg [dreg:$0x15]  }
0x27: {  	[tilespmem:s9], [sflag:$0x1] =	stream.linear.gather [hbm4b:s20+s6], $0xA0, $0x38;
	[tilespmem:$0x1F680] =	vst v63  }
0x28: {  	s23 =	rddreg [dreg:$0xb]  }
0x29: {  	[tilespmem:s8], [sflag:$0x1] =	stream.linear.gather [hbm4b:s23+s6], $0xA0, $0x38;
	[tilespmem:$0x1F680] =	vst v63  }
0x2a: {  	_ =	swait.ge [sflag:s10], $0xA0  }
0x2b: {  	[sflag:s10] =	ssyncset.done $0x0  }
0x2c: {  	[sflag:s10] =	ssyncadd.s32 $0xFFFFFF60  }
0x2d: {  	_ =	swait.ge [sflag:s10], $0xA0  }
0x2e: {  	[sflag:s10] =	ssyncset.done $0x0  }
0x2f: {  	[sflag:s10] =	ssyncadd.s32 $0xFFFFFF60  }
0x30: {  	_ =	swait.ge [sflag:s10], $0xA0  }
0x31: {  	[sflag:s10] =	ssyncset.done $0x0  }
0x32: {  	s24 =	simm.s32 $0xA0;
	[sflag:s10] =	ssyncadd.s32 $0xFFFFFF60  }
0x33: {  	[tilespmem:s0], [sflag:$0x2] =	stream.indirect.gather [hbm4b:s22+s24], $0x40, s6, s24, $0xb8;
	[tilespmem:$0x1F680] =	vst v63  }
0x34: {  	_ =	swait.ge [sflag:s7], $0x2800  }
0x35: {  	[sflag:s7] =	ssyncset.done $0x0  }
0x36: {  	[sflag:s7] =	ssyncadd.s32 $0xFFFFD800  }
0x37: {  	[spmem:s2] =	stream.indirect.scatter.add.f32 [tilespmem:s0], [sflag:$0x3], $0x40, s9, s24, $0xb8;
	[tilespmem:$0x1F680] =	vst v63  }
0x38: {  	_ = 	snop  }
0x39: {  	[spmem:s5] =	stream.indirect.scatter.add.f32 [tilespmem:s8], [sflag:$0x3], $0x1, s9, s24, $0xb8;
	[tilespmem:$0x1F680] =	vst v63  }
0x3a: {  	_ = 	snop  }
0x3b: {  	[spmem:s4] =	stream.indirect.scatter.add.f32 [tilespmem:s29], [sflag:$0x3], $0x1, s9, s24, $0xb8;
	[tilespmem:$0x1F680] =	vst v63  }
0x3c: {  	_ =	swait.ge [sflag:s30], $0x2800  }
0x3d: {  	[sflag:s30] =	ssyncset.done $0x0  }
0x3e: {  	[sflag:s30] =	ssyncadd.s32 $0xFFFFD800  }
0x3f: {  	_ =	swait.ge [sflag:s30], $0xA0  }
0x40: {  	[sflag:s30] =	ssyncset.done $0x0  }
0x41: {  	[sflag:s30] =	ssyncadd.s32 $0xFFFFFF60  }
0x42: {  	_ =	swait.ge [sflag:s30], $0xA0  }
0x43: {  	[sflag:s30] =	ssyncset.done $0x0  }
0x44: {  	[sflag:s30] =	ssyncadd.s32 $0xFFFFFF60  }
0x45: {  	[bflag:$0x0] =	sbarrier.arrive $0xFFFF  }
0x46: {  	s19 =	rddreg [dreg:$0xc]  }
0x47: {  	s17 =	simm.s32 @p1 $0x1FC4;
	s20 =	rddreg [dreg:$0xf];
	s1 =	sshrl.u32 @p1 s19, $0x3  }
0x48: {  	[hbm:s20], [sflag:s17] =	dma.local @p1 [spmem:s1], $0xC80  }
0x49: {  	s1 =	simm.s32 @p1 $0x4  }
0x4a: {  	_ =	swait.ge @p1 [sflag:s1], $0xC80  }
0x4b: {  	[sflag:s1] =	ssyncset.done @p1 $0x0;
	s23 =	rddreg [dreg:$0xd]  }
0x4c: {  	s3 =	rddreg [dreg:$0x10];
	[sflag:s1] =	ssyncadd.s32 @p1 $0xFFFFF380;
	s18 =	sshrl.u32 @p1 s23, $0x3  }
0x4d: {  	[hbm:s3], [sflag:s17] =	dma.local @p1 [spmem:s18], $0x32  }
0x4e: {  	_ =	swait.ge @p1 [sflag:s1], $0x32  }
0x4f: {  	[sflag:s1] =	ssyncset.done @p1 $0x0;
	s31 =	rddreg [dreg:$0xe]  }
0x50: {  	s24 =	rddreg [dreg:$0x11];
	[sflag:s1] =	ssyncadd.s32 @p1 $0xFFFFFFCE;
	s18 =	sshrl.u32 @p1 s31, $0x3  }
0x51: {  	[hbm:s24], [sflag:s17] =	dma.local @p1 [spmem:s18], $0x32  }
0x52: {  	s17 =	stileid.u32;
	_ =	swait.ge @p1 [sflag:s1], $0x32  }
0x53: {  	s17 =	sshll.u32 @!p1 s17, $0x6;
	[sflag:s1] =	ssyncset.done @p1 $0x0  }
0x54: {  	[sflag:s1] =	ssyncadd.s32 @p1 $0xFFFFFFCE;
	s1 =	sor.u32 @!p1 $0x1C04, s17;
	s17 =	sshrl.u32 @!p1 s19, $0x3  }
0x55: {  	[hbm:s20], [sflag:s1] =	dma.local @!p1 [spmem:s17], $0x1400  }
0x56: {  	s17 =	simm.s32 @!p1 $0x4  }
0x57: {  	_ =	swait.ge @!p1 [sflag:s17], $0x1400  }
0x58: {  	[sflag:s17] =	ssyncset.done @!p1 $0x0  }
0x59: {  	s18 =	sshrl.u32 @!p1 s23, $0x3;
	[sflag:s17] =	ssyncadd.s32 @!p1 $0xFFFFEC00  }
0x5a: {  	[hbm:s3], [sflag:s1] =	dma.local @!p1 [spmem:s18], $0x50  }
0x5b: {  	_ =	swait.ge @!p1 [sflag:s17], $0x50  }
0x5c: {  	[sflag:s17] =	ssyncset.done @!p1 $0x0  }
0x5d: {  	s18 =	sshrl.u32 @!p1 s31, $0x3;
	[sflag:s17] =	ssyncadd.s32 @!p1 $0xFFFFFFB0  }
0x5e: {  	[hbm:s24], [sflag:s1] =	dma.local @!p1 [spmem:s18], $0x50  }
0x5f: {  	_ =	swait.ge @!p1 [sflag:s17], $0x50  }
0x60: {  	s21 =	sadd.s32 $0x1, s21;
	s31 =	rddreg [dreg:$0x12]  }
0x61: {  	p2 =	sne.s32 s21, s31  }
.Ltmp1:
0x62: {  	_ = 	snop;
	(pc) =	sbr.rel @!p2 .LBB2_11-.Ltmp1, $3  }
0x63: {  	_ =	sdelay $0x1  }
0x64: {  	[sflag:s17] =	ssyncset.done @!p1 $0x0  }
0x65: {  	s20 =	simm.s32 $0xC80;
	s24 =	simm.s32 $0xB180;
	[sflag:s17] =	ssyncadd.s32 @!p1 $0xFFFFFFB0  }
.LBB2_1:
0x66: {  	[tilespmem:$0xF00] =	vst v0  }
0x67: {  	[tilespmem:$0xF10] =	vst v0  }
0x68: {  	[tilespmem:$0xF20] =	vst v0  }
0x69: {  	[tilespmem:$0xF30] =	vst v0  }
0x6a: {  	[tilespmem:$0xF40] =	vst v0  }
0x6b: {  	[tilespmem:$0xF50] =	vst v0  }
0x6c: {  	[tilespmem:$0xF60] =	vst v0  }
0x6d: {  	[tilespmem:$0xF70] =	vst v0  }
0x6e: {  	[tilespmem:$0xF80] =	vst v0  }
0x6f: {  	[tilespmem:$0xF90] =	vst v0  }
0x70: {  	[tilespmem:$0xFA0] =	vst v0  }
0x71: {  	[tilespmem:$0xFB0] =	vst v0  }
0x72: {  	[tilespmem:$0xFC0] =	vst v0  }
0x73: {  	[tilespmem:$0xFD0] =	vst v0  }
0x74: {  	[tilespmem:$0xFE0] =	vst v0  }
0x75: {  	[tilespmem:$0xFF0] =	vst v0  }
0x76: {  	[tilespmem:$0x1000] =	vst v0  }
0x77: {  	[tilespmem:$0x1010] =	vst v0  }
0x78: {  	[tilespmem:$0x1020] =	vst v0  }
0x79: {  	[tilespmem:$0x1030] =	vst v0  }
0x7a: {  	[tilespmem:$0x1040] =	vst v0  }
0x7b: {  	[tilespmem:$0x1050] =	vst v0  }
0x7c: {  	[tilespmem:$0x1060] =	vst v0  }
0x7d: {  	[tilespmem:$0x1070] =	vst v0  }
0x7e: {  	[tilespmem:$0x1080] =	vst v0  }
0x7f: {  	[tilespmem:$0x1090] =	vst v0  }
0x80: {  	[tilespmem:$0x10A0] =	vst v0  }
0x81: {  	[tilespmem:$0x10B0] =	vst v0  }
0x82: {  	[tilespmem:$0x10C0] =	vst v0  }
0x83: {  	[tilespmem:$0x10D0] =	vst v0  }
0x84: {  	[tilespmem:$0x10E0] =	vst v0  }
0x85: {  	[tilespmem:$0x10F0] =	vst v0  }
0x86: {  	[tilespmem:$0x1100] =	vst v0  }
0x87: {  	[tilespmem:$0x1110] =	vst v0  }
0x88: {  	[tilespmem:$0x1120] =	vst v0  }
0x89: {  	[tilespmem:$0x1130] =	vst v0  }
0x8a: {  	[tilespmem:$0x1140] =	vst v0  }
0x8b: {  	[tilespmem:$0x1150] =	vst v0  }
0x8c: {  	[tilespmem:$0x1160] =	vst v0  }
0x8d: {  	[tilespmem:$0x1170] =	vst v0;
	s31 =	simm.s32 $0x100;
	s23 =	simm.s32 $0x0  }
.LBB2_2:
0x8e: {  	p2 =	sne.s32 s31, $0x27F00;
	[tilespmem:s23+$0x11B0] =	vst v1;
	s1 =	smov.u32 s31;
	s31 =	sadd.s32 $0x100, s31  }
.Ltmp2:
0x8f: {  	[tilespmem:s23+$0x11A0] =	vst v1;
	(pc) =	sbr.rel @p2 .LBB2_2-.Ltmp2, $3  }
0x90: {  	[tilespmem:s23+$0x1180] =	vst v1  }
0x91: {  	[tilespmem:s23+$0x1190] =	vst v1;
	_ =	sdelay $0x1  }
0x92: {  	s23 =	sshra.s32 s1, $0x2  }
0x93: {  	[tilespmem:s23+$0x11B0] =	vst v1  }
0x94: {  	[tilespmem:s23+$0x11A0] =	vst v1  }
0x95: {  	[tilespmem:s23+$0x1180] =	vst v1  }
0x96: {  	[tilespmem:s23+$0x1190] =	vst v1  }
0x97: {  	[tilespmem:$0xA00] =	vst v1  }
0x98: {  	[tilespmem:$0xA10] =	vst v1  }
0x99: {  	[tilespmem:$0xA20] =	vst v1  }
0x9a: {  	[tilespmem:$0xA30] =	vst v1  }
0x9b: {  	[tilespmem:$0xA40] =	vst v1  }
0x9c: {  	[tilespmem:$0xA50] =	vst v1  }
0x9d: {  	[tilespmem:$0xA60] =	vst v1  }
0x9e: {  	[tilespmem:$0xA70] =	vst v1  }
0x9f: {  	[tilespmem:$0xA80] =	vst v1  }
0xa0: {  	[tilespmem:$0xA90] =	vst v1  }
0xa1: {  	[tilespmem:$0xAA0] =	vst v1  }
0xa2: {  	[tilespmem:$0xAB0] =	vst v1  }
0xa3: {  	[tilespmem:$0xAC0] =	vst v1  }
0xa4: {  	[tilespmem:$0xAD0] =	vst v1  }
0xa5: {  	[tilespmem:$0xAE0] =	vst v1  }
0xa6: {  	[tilespmem:$0xAF0] =	vst v1  }
0xa7: {  	[tilespmem:$0xB00] =	vst v1  }
0xa8: {  	[tilespmem:$0xB10] =	vst v1  }
0xa9: {  	[tilespmem:$0xB20] =	vst v1  }
0xaa: {  	[tilespmem:$0xB30] =	vst v1  }
0xab: {  	[tilespmem:$0xB40] =	vst v1  }
0xac: {  	[tilespmem:$0xB50] =	vst v1  }
0xad: {  	[tilespmem:$0xB60] =	vst v1  }
0xae: {  	[tilespmem:$0xB70] =	vst v1  }
0xaf: {  	[tilespmem:$0xB80] =	vst v1  }
0xb0: {  	[tilespmem:$0xB90] =	vst v1  }
0xb1: {  	[tilespmem:$0xBA0] =	vst v1  }
0xb2: {  	[tilespmem:$0xBB0] =	vst v1  }
0xb3: {  	[tilespmem:$0xBC0] =	vst v1  }
0xb4: {  	[tilespmem:$0xBD0] =	vst v1  }
0xb5: {  	[tilespmem:$0xBE0] =	vst v1  }
0xb6: {  	[tilespmem:$0xBF0] =	vst v1  }
0xb7: {  	[tilespmem:$0xC00] =	vst v1  }
0xb8: {  	[tilespmem:$0xC10] =	vst v1  }
0xb9: {  	[tilespmem:$0xC20] =	vst v1  }
0xba: {  	[tilespmem:$0xC30] =	vst v1  }
0xbb: {  	[tilespmem:$0xC40] =	vst v1  }
0xbc: {  	[tilespmem:$0xC50] =	vst v1  }
0xbd: {  	[tilespmem:$0xC60] =	vst v1  }
0xbe: {  	s1 =	rddreg [dreg:$0xc];
	s3 =	simm.s32 $0x4;
	[tilespmem:$0xC70] =	vst v1  }
0xbf: {  	[spmem:s1] =	stream.linear.scatter [tilespmem:s0], [sflag:$0x4], $0xA000, $0x38;
	[tilespmem:$0x1F680] =	vst v63  }
0xc0: {  	_ =	swait.ge [sflag:s3], $0xA000  }
0xc1: {  	[sflag:s3] =	ssyncset.done $0x0  }
0xc2: {  	s23 =	rddreg [dreg:$0xd];
	[sflag:s3] =	ssyncadd.s32 $0xFFFF6000  }
0xc3: {  	[spmem:s23] =	stream.linear.scatter [tilespmem:s8], [sflag:$0x4], $0x280, $0x38;
	[tilespmem:$0x1F680] =	vst v63  }
0xc4: {  	_ =	swait.ge [sflag:s3], $0x280  }
0xc5: {  	[sflag:s3] =	ssyncset.done $0x0  }
0xc6: {  	s17 =	rddreg [dreg:$0xe];
	[sflag:s3] =	ssyncadd.s32 $0xFFFFFD80  }
0xc7: {  	[spmem:s17] =	stream.linear.scatter [tilespmem:s8], [sflag:$0x4], $0x280, $0x38;
	[tilespmem:$0x1F680] =	vst v63  }
0xc8: {  	_ =	swait.ge [sflag:s3], $0x280  }
0xc9: {  	[sflag:s3] =	ssyncset.done $0x0  }
0xca: {  	[sflag:s3] =	ssyncadd.s32 $0xFFFFFD80  }
0xcb: {  	[bflag:$0x0] =	sbarrier.arrive $0xFFFF  }
0xcc: {  	s23 =	simm.s32 $0x0;
	s18 =	rddreg [dreg:$0x6]  }
0xcd: {  	[tilespmem:s23], [sflag:$0x1] =	stream.linear.gather [hbm4b:s18+s23], $0x280, $0x38;
	[tilespmem:$0x1F680] =	vst v63  }
0xce: {  	s19 =	rddreg [dreg:$0x13]  }
0xcf: {  	[tilespmem:s9], [sflag:$0x1] =	stream.linear.gather [hbm4b:s19+s23], $0x280, $0x38;
	[tilespmem:$0x1F680] =	vst v63  }
0xd0: {  	s3 =	rddreg [dreg:$0x7]  }
0xd1: {  	[tilespmem:s8], [sflag:$0x1] =	stream.linear.gather [hbm4b:s3+s23], $0x280, $0x38;
	[tilespmem:$0x1F680] =	vst v63  }
0xd2: {  	_ =	swait.ge [sflag:s10], $0x280  }
0xd3: {  	[sflag:s10] =	ssyncset.done $0x0  }
0xd4: {  	[sflag:s10] =	ssyncadd.s32 $0xFFFFFD80  }
0xd5: {  	_ =	swait.ge [sflag:s10], $0x280  }
0xd6: {  	[sflag:s10] =	ssyncset.done $0x0  }
0xd7: {  	[sflag:s10] =	ssyncadd.s32 $0xFFFFFD80  }
0xd8: {  	_ =	swait.ge [sflag:s10], $0x280  }
0xd9: {  	[sflag:s10] =	ssyncset.done $0x0  }
0xda: {  	[sflag:s10] =	ssyncadd.s32 $0xFFFFFD80  }
0xdb: {  	[tilespmem:s0], [sflag:$0x2] =	stream.indirect.gather [hbm4b:s22+s11], $0x40, s23, s11, $0xb8;
	[tilespmem:$0x1F680] =	vst v63  }
0xdc: {  	s17 =	rddreg [dreg:$0x8]  }
0xdd: {  	[tilespmem:s11], [sflag:$0x1] =	stream.linear.gather [hbm4b:s17+s23], $0x280, $0x38;
	[tilespmem:$0x1F680] =	vst v63  }
.Ltmp3:
0xde: {  	_ = 	snop;
	(pc) =	sbr.rel .LBB2_4-.Ltmp3, $4  }
0xdf: {  	s18 =	rddreg [dreg:$0x14]  }
0xe0: {  	[tilespmem:s12], [sflag:$0x1] =	stream.linear.gather [hbm4b:s18+s23], $0x280, $0x38;
	[tilespmem:$0x1F680] =	vst v63  }
0xe1: {  	s31 =	simm.s32 $0x0;
	s19 =	rddreg [dreg:$0x9]  }
0xe2: {  	[tilespmem:s20], [sflag:$0x1] =	stream.linear.gather [hbm4b:s19+s23], $0x280, $0x38;
	[tilespmem:$0x1F680] =	vst v63  }
.LBB2_8:
0xe3: {  	_ =	swait.ge [sflag:s7], $0xA000  }
0xe4: {  	[sflag:s7] =	ssyncset.done $0x0  }
0xe5: {  	[sflag:s7] =	ssyncadd.s32 $0xFFFF6000  }
0xe6: {  	_ =	swait.ge [sflag:s10], $0x280  }
0xe7: {  	[sflag:s10] =	ssyncset.done $0x0  }
0xe8: {  	[sflag:s10] =	ssyncadd.s32 $0xFFFFFD80  }
0xe9: {  	_ =	swait.ge [sflag:s10], $0x280  }
0xea: {  	[sflag:s10] =	ssyncset.done $0x0  }
0xeb: {  	[sflag:s10] =	ssyncadd.s32 $0xFFFFFD80  }
0xec: {  	_ =	swait.ge [sflag:s10], $0x280  }
0xed: {  	[sflag:s10] =	ssyncset.done $0x0  }
0xee: {  	[sflag:s10] =	ssyncadd.s32 $0xFFFFFD80  }
0xef: {  	[tilespmem:s0], [sflag:$0x2] =	stream.indirect.gather [hbm4b:s1+s11], $0x40, s6, s11, $0xb8;
	[tilespmem:$0x1F680] =	vst v63  }
0xf0: {  	_ = 	snop  }
0xf1: {  	[spmem:s2] =	stream.indirect.scatter.add.f32 [tilespmem:s24], [sflag:$0x3], $0x40, s12, s11, $0xb8;
	[tilespmem:$0x1F680] =	vst v63  }
0xf2: {  	_ = 	snop  }
0xf3: {  	[spmem:s5] =	stream.indirect.scatter.add.f32 [tilespmem:s20], [sflag:$0x3], $0x1, s12, s11, $0xb8;
	[tilespmem:$0x1F680] =	vst v63  }
0xf4: {  	_ = 	snop  }
0xf5: {  	[spmem:s4] =	stream.indirect.scatter.add.f32 [tilespmem:s29], [sflag:$0x3], $0x1, s12, s11, $0xb8;
	[tilespmem:$0x1F680] =	vst v63  }
0xf6: {  	_ =	swait.ge [sflag:s30], $0xA000  }
0xf7: {  	[sflag:s30] =	ssyncset.done $0x0  }
0xf8: {  	[sflag:s30] =	ssyncadd.s32 $0xFFFF6000  }
0xf9: {  	_ =	swait.ge [sflag:s30], $0x280  }
0xfa: {  	[sflag:s30] =	ssyncset.done $0x0  }
0xfb: {  	[sflag:s30] =	ssyncadd.s32 $0xFFFFFD80  }
0xfc: {  	p2 =	sgt.u32 s31, $0xD;
	_ =	swait.ge [sflag:s30], $0x280  }
0xfd: {  	s19 =	simm.s32 @!p2 $0x0;
	s1 =	sadd.s32 @!p2 s23, s13;
	[sflag:s30] =	ssyncset.done $0x0  }
0xfe: {  	s17 =	simm.s32 @!p2 $0x280;
	s18 =	sadd.s32 @!p2 $0xF0, s1;
	[sflag:s30] =	ssyncadd.s32 $0xFFFFFD80  }
0xff: {  	[tilespmem:s17], [sflag:$0x1] =	stream.linear.gather @!p2 [hbm4b:s18+s19], $0x280, $0x38;
	[tilespmem:$0x1F680] =	vst v63  }
0x100: {  	s1 =	sadd.s32 @!p2 $0x9D30, s1;
	s17 =	simm.s32 @!p2 $0x780  }
0x101: {  	[tilespmem:s17], [sflag:$0x1] =	stream.linear.gather @!p2 [hbm4b:s1+s19], $0x280, $0x38;
	[tilespmem:$0x1F680] =	vst v63  }
0x102: {  	s1 =	sadd.s32 @!p2 s23, s25;
	s17 =	simm.s32 @!p2 $0xC80  }
0x103: {  	[tilespmem:s17], [sflag:$0x1] =	stream.linear.gather @!p2 [hbm4b:s1+s19], $0x280, $0x38;
	[tilespmem:$0x1F680] =	vst v63  }
.LBB2_9:
0x104: {  	s23 =	sadd.s32 $0xA0, s23  }
0x105: {  	p2 =	sne.s32 s23, $0xA00  }
.Ltmp4:
0x106: {  	_ = 	snop;
	(pc) =	sbr.rel @!p2 .LBB2_10-.Ltmp4, $2  }
0x107: {  	_ =	sdelay $0x2  }
0x108: {  	s31 =	sadd.s32 $0x1, s31  }
.LBB2_4:
0x109: {  	_ =	swait.ge [sflag:s7], $0xA000  }
0x10a: {  	p2 =	sgt.u32 s31, $0xE;
	[sflag:s7] =	ssyncset.done $0x0  }
0x10b: {  	s1 =	simm.s32 @!p2 $0x1;
	[sflag:s7] =	ssyncadd.s32 $0xFFFF6000  }
0x10c: {  	_ =	swait.ge @!p2 [sflag:s1], $0x280  }
0x10d: {  	[sflag:s1] =	ssyncset.done @!p2 $0x0  }
0x10e: {  	[sflag:s1] =	ssyncadd.s32 @!p2 $0xFFFFFD80  }
0x10f: {  	_ =	swait.ge @!p2 [sflag:s1], $0x280  }
0x110: {  	[sflag:s1] =	ssyncset.done @!p2 $0x0  }
0x111: {  	[sflag:s1] =	ssyncadd.s32 @!p2 $0xFFFFFD80  }
0x112: {  	_ =	swait.ge @!p2 [sflag:s1], $0x280  }
0x113: {  	[sflag:s1] =	ssyncset.done @!p2 $0x0  }
0x114: {  	s18 =	simm.s32 @!p2 $0xB180;
	[sflag:s1] =	ssyncadd.s32 @!p2 $0xFFFFFD80;
	s1 =	simm.s32 @!p2 $0x280  }
0x115: {  	[tilespmem:s18], [sflag:$0x2] =	stream.indirect.gather @!p2 [hbm4b:s22+s1], $0x40, s1, s1, $0xb8;
	[tilespmem:$0x1F680] =	vst v63  }
0x116: {  	_ = 	snop  }
0x117: {  	[spmem:s2] =	stream.indirect.scatter.add.f32 [tilespmem:s0], [sflag:$0x3], $0x40, s9, s11, $0xb8;
	[tilespmem:$0x1F680] =	vst v63  }
0x118: {  	_ = 	snop  }
0x119: {  	[spmem:s5] =	stream.indirect.scatter.add.f32 [tilespmem:s8], [sflag:$0x3], $0x1, s9, s11, $0xb8;
	[tilespmem:$0x1F680] =	vst v63  }
0x11a: {  	_ = 	snop  }
0x11b: {  	[spmem:s4] =	stream.indirect.scatter.add.f32 [tilespmem:s29], [sflag:$0x3], $0x1, s9, s11, $0xb8;
	[tilespmem:$0x1F680] =	vst v63  }
0x11c: {  	_ =	swait.ge [sflag:s30], $0xA000  }
0x11d: {  	[sflag:s30] =	ssyncset.done $0x0  }
0x11e: {  	[sflag:s30] =	ssyncadd.s32 $0xFFFF6000  }
0x11f: {  	p3 =	seq.s32 s23, $0x960;
	_ =	swait.ge [sflag:s30], $0x280  }
.Ltmp5:
0x120: {  	[sflag:s30] =	ssyncset.done $0x0;
	(pc) =	sbr.rel @p3 .LBB2_10-.Ltmp5, $4  }
0x121: {  	[sflag:s30] =	ssyncadd.s32 $0xFFFFFD80  }
0x122: {  	_ =	swait.ge [sflag:s30], $0x280  }
0x123: {  	[sflag:s30] =	ssyncset.done $0x0  }
0x124: {  	[sflag:s30] =	ssyncadd.s32 $0xFFFFFD80  }
.Ltmp6:
0x125: {  	(pc) =	sbr.rel @p0 .LBB2_7-.Ltmp6, $1  }
0x126: {  	_ =	sdelay $0x3  }
0x127: {  	s1 =	sadd.s32 s23, s15  }
0x128: {  	p2 =	slt.u32 s31, $0xF;
	s18 =	sadd.s32 $0xA0, s1  }
0x129: {  	[tilespmem:s6], [sflag:$0x1] =	stream.linear.gather [hbm4b:s18+s6], $0x280, $0x38;
	[tilespmem:$0x1F680] =	vst v63  }
.Ltmp7:
0x12a: {  	_ = 	snop;
	(pc) =	sbr.rel @p2 .LBB2_8-.Ltmp7, $4  }
.Ltmp8:
0x12b: {  	s1 =	sadd.s32 $0x9CE0, s1;
	(pc) =	sbr.rel @!p2 .LBB2_9-.Ltmp8, $4  }
0x12c: {  	[tilespmem:s9], [sflag:$0x1] =	stream.linear.gather [hbm4b:s1+s6], $0x280, $0x38;
	[tilespmem:$0x1F680] =	vst v63  }
0x12d: {  	s19 =	sadd.s32 s23, s28;
	s1 =	rddreg [dreg:$0x0]  }
0x12e: {  	[tilespmem:s8], [sflag:$0x1] =	stream.linear.gather [hbm4b:s19+s6], $0x280, $0x38;
	[tilespmem:$0x1F680] =	vst v63  }
0x12f: {  	_ = 	snop  }
.LBB2_7:
0x130: {  	s1 =	sadd.s32 s23, s14  }
0x131: {  	s18 =	sadd.s32 $0xA0, s1  }
0x132: {  	[tilespmem:s6], [sflag:$0x1] =	stream.linear.gather [hbm4b:s18+s6], $0x280, $0x38;
	[tilespmem:$0x1F680] =	vst v63  }
.Ltmp9:
0x133: {  	_ = 	snop;
	(pc) =	sbr.rel @p2 .LBB2_9-.Ltmp9, $4  }
.Ltmp10:
0x134: {  	s1 =	sadd.s32 $0x9CE0, s1;
	(pc) =	sbr.rel @!p2 .LBB2_8-.Ltmp10, $4  }
0x135: {  	[tilespmem:s9], [sflag:$0x1] =	stream.linear.gather [hbm4b:s1+s6], $0x280, $0x38;
	[tilespmem:$0x1F680] =	vst v63  }
0x136: {  	s19 =	sadd.s32 s23, s26;
	s1 =	smov.u32 s16  }
0x137: {  	[tilespmem:s8], [sflag:$0x1] =	stream.linear.gather [hbm4b:s19+s6], $0x280, $0x38;
	[tilespmem:$0x1F680] =	vst v63  }
0x138: {  	_ = 	snop  }
.LBB2_11:
0x139: {  	_ =	sfence.sel $0x180000  }
0x13a: {  	[bflag:$0x0] =	sbarrier.arrive $0xFFFF  }
0x13b: {  	_ =	strace $0x90000047  }
0x13c: {  	s0 =	stileid.u32;
	[bflag:$0x2] =	sbarrier.arrive $0xFFFF  }
0x13d: {  	p0 =	sne.s32 s0, $0x0;
	s0 =	rddreg [dreg:$0x5]  }
0x13e: {  	s0 =	sadd.s32 @!p0 $0x100000, s0  }
0x13f: {  	[sflag:s0] =	ssyncadd.tile.s32 @!p0 $0x1;
	_ =	shalt  }
.Lfunc_end2:
_tile_overlayer_lowered:
.L_overlay_start_2:
0x140: {  	(tag) =	ssettag $0x2  }
0x141: {  	s0 =	rddreg [dreg:$0x0];
	s2 =	stileid.u32  }
0x142: {  	s1 =	rddreg [dreg:$0x1];
	p0 =	sne.s32 s2, $0x0  }
0x143: {  	s3 =	rddreg [dreg:$0x2];
	[bflag:$0x3] =	sbarrier.arrive $0xFFFF;
	s2 =	simm.s32 @!p0 $0x1C04  }
0x144: {  	[timem:s3], [sflag:s2] =	dma.local @!p0 [hbm:s0], s1  }
0x145: {  	s0 =	simm.s32 @!p0 $0x4  }
0x146: {  	_ =	swait.ge @!p0 [sflag:s0], s1  }
0x147: {  	s1 =	ssub.s32 @!p0 $0x0, s1;
	[sflag:s0] =	ssyncset.done @!p0 $0x0  }
0x148: {  	[sflag:s0] =	ssyncadd.s32 @!p0 s1  }
0x149: {  	[bflag:$0x3] =	sbarrier.arrive $0xFFFF  }
0x14a: {  	_ =	shalt  }

</sc_bundles>
